<compile_context>
chip_gen: v7x
topology: tpu7x:2x2x1
jax: 0.10.2.dev20260603
libtpu: 0.0.44.dev20260713+nightly
codegen_flags: <defaults>
</compile_context>

<pallas_src>
import functools

import jax
import jax.numpy as jnp
from jax import lax
from jax.experimental import pallas as pl
from jax.experimental.pallas import tpu as pltpu
from jax.experimental.pallas import tpu_sc as plsc

F32 = jnp.float32
I32 = jnp.int32
NEG = 3e38
BIGI = 2**30

K = 16
KNN_R = 256
KNN_C = 10240
BN_NODES = 256


def _knn_body(n_real, cblocks, xr_ref, xc_ref, out_ref, lv_ref, li_ref,
              cv_ref, ci_ref):
    c = pl.program_id(1)
    xr = xr_ref[...]
    xc = xc_ref[...]
    sqr = jnp.sum(xr * xr, axis=1)
    sqc = jnp.sum(xc * xc, axis=1)
    dots = lax.dot_general(xr, xc, (((1,), (1,)), ((), ())),
                           preferred_element_type=F32)
    keys = (sqr[:, None] + sqc[None, :]) - 2.0 * dots
    colids = c * KNN_C + lax.broadcasted_iota(I32, (KNN_R, KNN_C), 1)
    keys = jnp.where(colids < n_real, keys, NEG)
    cv_ref[...] = keys
    ci_ref[...] = colids

    @pl.when(c == 0)
    def _():
        lv_ref[...] = jnp.full((KNN_R, K), NEG, F32)
        li_ref[...] = jnp.full((KNN_R, K), BIGI, I32)

    lanepos = lax.broadcasted_iota(I32, (KNN_R, K), 1) > 0

    def cond(m):
        return jnp.any(m < lv_ref[:, K - 1:K])

    def body(m):
        cv = cv_ref[...]
        ci = ci_ref[...]
        sel = jnp.min(jnp.where(cv == m, ci, BIGI), axis=1, keepdims=True)
        cv2 = jnp.where(ci == sel, NEG, cv)
        cv_ref[...] = cv2

        lv = lv_ref[...]
        li = li_ref[...]
        sh = lv > m
        lvr = jnp.roll(lv, 1, axis=1)
        shr = (lvr > m) & lanepos
        lv_ref[...] = jnp.where(
            sh, jnp.where(shr, lvr, jnp.broadcast_to(m, (KNN_R, K))), lv)
        li_ref[...] = jnp.where(
            sh, jnp.where(shr, jnp.roll(li, 1, axis=1),
                          jnp.broadcast_to(sel, (KNN_R, K))), li)
        return jnp.min(cv2, axis=1, keepdims=True)

    lax.while_loop(cond, body, jnp.min(keys, axis=1, keepdims=True))

    @pl.when(c == cblocks - 1)
    def _():
        out_ref[...] = li_ref[...]


def _knn_idx_pallas(xpad, n_real):
    npad, d = xpad.shape
    rblocks = npad // KNN_R
    cblocks = npad // KNN_C
    return pl.pallas_call(
        functools.partial(_knn_body, n_real, cblocks),
        grid=(rblocks, cblocks),
        in_specs=[
            pl.BlockSpec((KNN_R, d), lambda r, c: (r, 0)),
            pl.BlockSpec((KNN_C, d), lambda r, c: (c, 0)),
        ],
        out_specs=pl.BlockSpec((KNN_R, K), lambda r, c: (r, 0)),
        out_shape=jax.ShapeDtypeStruct((npad, K), I32),
        scratch_shapes=[
            pltpu.VMEM((KNN_R, K), F32),
            pltpu.VMEM((KNN_R, K), I32),
            pltpu.VMEM((KNN_R, KNN_C), F32),
            pltpu.VMEM((KNN_R, KNN_C), I32),
        ],
    )(xpad, xpad)


def _prep_body(x_ref, wd_ref, wb_ref, b1_ref, a_ref, b_ref):
    x = x_ref[...]
    a_ref[...] = jnp.dot(x, wd_ref[...], preferred_element_type=F32) + b1_ref[...]
    b_ref[...] = jnp.dot(x, wb_ref[...], preferred_element_type=F32)


def _prep_pallas(xpad, wd, wb, b1):
    npad, d = xpad.shape
    h = wd.shape[1]
    nb = npad // BN_NODES
    return pl.pallas_call(
        _prep_body,
        grid=(nb,),
        in_specs=[
            pl.BlockSpec((BN_NODES, d), lambda i: (i, 0)),
            pl.BlockSpec((d, h), lambda i: (0, 0)),
            pl.BlockSpec((d, h), lambda i: (0, 0)),
            pl.BlockSpec((1, h), lambda i: (0, 0)),
        ],
        out_specs=[
            pl.BlockSpec((BN_NODES, h), lambda i: (i, 0)),
            pl.BlockSpec((BN_NODES, h), lambda i: (i, 0)),
        ],
        out_shape=[
            jax.ShapeDtypeStruct((npad, h), F32),
            jax.ShapeDtypeStruct((npad, h), F32),
        ],
    )(xpad, wd, wb, b1.reshape(1, h))


def _gather_rows(bmat, idx_flat):
    ne = idx_flat.shape[0]
    h = bmat.shape[1]
    info = plsc.get_sparse_core_info()
    nw = info.num_cores * info.num_subcores
    chunk = 128
    per_w = ne // nw
    steps = per_w // chunk
    mesh = plsc.VectorSubcoreMesh(core_axis_name="c", subcore_axis_name="s")

    @functools.partial(
        pl.kernel,
        mesh=mesh,
        out_type=jax.ShapeDtypeStruct((ne, h), F32),
        scratch_types=[
            pltpu.VMEM((chunk,), I32),
            pltpu.VMEM((chunk, h), F32),
            pltpu.SemaphoreType.DMA,
        ],
    )
    def gather_k(idx_hbm, b_hbm, out_hbm, idx_v, rows_v, sem):
        wid = lax.axis_index("s") * info.num_cores + lax.axis_index("c")
        base = wid * per_w

        def body(t, carry):
            off = base + t * chunk
            pltpu.sync_copy(idx_hbm.at[pl.ds(off, chunk)], idx_v)
            pltpu.async_copy(b_hbm.at[idx_v], rows_v, sem).wait()
            pltpu.sync_copy(rows_v, out_hbm.at[pl.ds(off, chunk)])
            return carry

        lax.fori_loop(0, steps, body, 0)

    return gather_k(idx_flat, bmat)


def _row_mask(step, rows_per_blk, n_valid, width):
    rid = step * rows_per_blk + lax.broadcasted_iota(I32, (rows_per_blk, 1), 0)
    return jnp.broadcast_to(rid < n_valid, (rows_per_blk, width))


def _stats1_body(n_valid, g_ref, a_ref, stat_ref):
    step = pl.program_id(0)
    bn, k, h = g_ref.shape
    a3 = lax.broadcast_in_dim(a_ref[...], (bn, k, h), (0, 2))
    h1 = (a3 + g_ref[...]).reshape(bn * k, h)
    m = _row_mask(step, bn * k, n_valid, h)
    hm = jnp.where(m, h1, 0.0)

    @pl.when(step == 0)
    def _():
        stat_ref[...] = jnp.zeros_like(stat_ref)

    stat_ref[0:1, :] += jnp.sum(hm, axis=0, keepdims=True)
    stat_ref[1:2, :] += jnp.sum(hm * h1, axis=0, keepdims=True)


def _layer1_body(n_valid, g_ref, a_ref, s_ref, t_ref, w_ref, b_ref,
                 hout_ref, stat_ref):
    step = pl.program_id(0)
    bn, k, h = g_ref.shape
    a3 = lax.broadcast_in_dim(a_ref[...], (bn, k, h), (0, 2))
    h1 = (a3 + g_ref[...]).reshape(bn * k, h)
    n1 = jnp.maximum(h1 * s_ref[...] + t_ref[...], 0.0)
    h2 = jnp.dot(n1, w_ref[...], preferred_element_type=F32) + b_ref[...]
    hout_ref[...] = h2
    m = _row_mask(step, bn * k, n_valid, h)
    hm = jnp.where(m, h2, 0.0)

    @pl.when(step == 0)
    def _():
        stat_ref[...] = jnp.zeros_like(stat_ref)

    stat_ref[0:1, :] += jnp.sum(hm, axis=0, keepdims=True)
    stat_ref[1:2, :] += jnp.sum(hm * h2, axis=0, keepdims=True)


def _layer2_body(n_valid, hin_ref, s_ref, t_ref, w_ref, b_ref,
                 hout_ref, stat_ref):
    step = pl.program_id(0)
    eb, h = hin_ref.shape
    n2 = jnp.maximum(hin_ref[...] * s_ref[...] + t_ref[...], 0.0)
    h3 = jnp.dot(n2, w_ref[...], preferred_element_type=F32) + b_ref[...]
    hout_ref[...] = h3
    m = _row_mask(step, eb, n_valid, h)
    hm = jnp.where(m, h3, 0.0)

    @pl.when(step == 0)
    def _():
        stat_ref[...] = jnp.zeros_like(stat_ref)

    stat_ref[0:1, :] += jnp.sum(hm, axis=0, keepdims=True)
    stat_ref[1:2, :] += jnp.sum(hm * h3, axis=0, keepdims=True)


def _final_body(hin_ref, s_ref, t_ref, out_ref):
    bn, k, h = hin_ref.shape
    n3 = jnp.maximum(hin_ref[...].reshape(bn * k, h) * s_ref[...] + t_ref[...],
                     0.0)
    out_ref[...] = jnp.sum(n3.reshape(bn, k, h), axis=1)


def _bn_scale_shift(stat, count, gamma, beta, eps=1e-5):
    mean = stat[0] / count
    var = stat[1] / count - mean * mean
    s = gamma * lax.rsqrt(var + eps)
    t = beta - mean * s
    return s.reshape(1, -1), t.reshape(1, -1)


def kernel(X, W1, b1, g1, be1, W2, b2, g2, be2, W3, b3, g3, be3):
    n, d = X.shape
    h = W1.shape[1]
    npad = ((n + KNN_C - 1) // KNN_C) * KNN_C
    xpad = jnp.pad(X, ((0, npad - n), (0, 0)))

    idx = _knn_idx_pallas(xpad, n)
    wd = W1[:d] - W1[d:]
    wb = W1[d:]
    a_mat, b_mat = _prep_pallas(xpad, wd, wb, b1)

    ne_pad = npad * K
    ne = n * K
    g_flat = _gather_rows(b_mat, idx.reshape(ne_pad))
    gath3 = g_flat.reshape(npad, K, h)

    nb = npad // BN_NODES
    eblk = BN_NODES * K
    cnt = jnp.float32(ne)

    spec_g3 = pl.BlockSpec((BN_NODES, K, h), lambda i: (i, 0, 0))
    spec_a = pl.BlockSpec((BN_NODES, h), lambda i: (i, 0))
    spec_vec = pl.BlockSpec((1, h), lambda i: (0, 0))
    spec_w = pl.BlockSpec((h, h), lambda i: (0, 0))
    spec_e = pl.BlockSpec((eblk, h), lambda i: (i, 0))
    spec_stat = pl.BlockSpec((2, h), lambda i: (0, 0))

    stat1 = pl.pallas_call(
        functools.partial(_stats1_body, ne),
        grid=(nb,),
        in_specs=[spec_g3, spec_a],
        out_specs=spec_stat,
        out_shape=jax.ShapeDtypeStruct((2, h), F32),
    )(gath3, a_mat)
    s1, t1 = _bn_scale_shift(stat1, cnt, g1, be1)

    h2_flat, stat2 = pl.pallas_call(
        functools.partial(_layer1_body, ne),
        grid=(nb,),
        in_specs=[spec_g3, spec_a, spec_vec, spec_vec, spec_w, spec_vec],
        out_specs=[spec_e, spec_stat],
        out_shape=[
            jax.ShapeDtypeStruct((ne_pad, h), F32),
            jax.ShapeDtypeStruct((2, h), F32),
        ],
    )(gath3, a_mat, s1, t1, W2, b2.reshape(1, h))
    s2, t2 = _bn_scale_shift(stat2, cnt, g2, be2)

    h3_flat, stat3 = pl.pallas_call(
        functools.partial(_layer2_body, ne),
        grid=(nb,),
        in_specs=[spec_e, spec_vec, spec_vec, spec_w, spec_vec],
        out_specs=[spec_e, spec_stat],
        out_shape=[
            jax.ShapeDtypeStruct((ne_pad, h), F32),
            jax.ShapeDtypeStruct((2, h), F32),
        ],
    )(h2_flat, s2, t2, W3, b3.reshape(1, h))
    s3, t3 = _bn_scale_shift(stat3, cnt, g3, be3)

    out_pad = pl.pallas_call(
        _final_body,
        grid=(nb,),
        in_specs=[spec_g3, spec_vec, spec_vec],
        out_specs=spec_a,
        out_shape=jax.ShapeDtypeStruct((npad, h), F32),
    )(h3_flat.reshape(npad, K, h), s3, t3)

    return out_pad[:n]

# --- scband reference (transcript-rebuilt; emitter-appended) ---
"""Pipeline reference for scband-dynamic-edge-conv-block-16381005267562 (READ-ONLY COPY).

The authoritative reference and input builder live on the scoring server;
editing this copy changes nothing except your own understanding.
"""

import jax, jax.numpy as jnp
import numpy as np

N = 10000
D = 128
H = 256
K = 16


def setup_inputs(seed: int = 0) -> dict:
    key = jax.random.key(seed)
    ks = jax.random.split(key, 8)
    X = jax.random.normal(ks[0], (N, D), dtype=jnp.float32)
    W1 = jax.random.normal(ks[1], (2 * D, H), dtype=jnp.float32) * (1.0 / np.sqrt(2 * D))
    b1 = jnp.zeros((H,), jnp.float32)
    g1 = jnp.ones((H,), jnp.float32)
    be1 = jnp.zeros((H,), jnp.float32)
    W2 = jax.random.normal(ks[2], (H, H), dtype=jnp.float32) * (1.0 / np.sqrt(H))
    b2 = jnp.zeros((H,), jnp.float32)
    g2 = jnp.ones((H,), jnp.float32)
    be2 = jnp.zeros((H,), jnp.float32)
    W3 = jax.random.normal(ks[3], (H, H), dtype=jnp.float32) * (1.0 / np.sqrt(H))
    b3 = jnp.zeros((H,), jnp.float32)
    g3 = jnp.ones((H,), jnp.float32)
    be3 = jnp.zeros((H,), jnp.float32)
    return {"X": X, "W1": W1, "b1": b1, "g1": g1, "be1": be1,
            "W2": W2, "b2": b2, "g2": g2, "be2": be2,
            "W3": W3, "b3": b3, "g3": g3, "be3": be3}


def _bn_train(x, gamma, beta, eps=1e-5):
    # BatchNorm1d in training mode: biased batch statistics
    m = jnp.mean(x, axis=0)
    v = jnp.var(x, axis=0)
    return (x - m) / jnp.sqrt(v + eps) * gamma + beta


def _knn_idx(X, k):
    # pairwise squared euclidean distances; self is included as nearest neighbor
    sq = jnp.sum(X * X, axis=1)
    dist = sq[:, None] + sq[None, :] - 2.0 * (X @ X.T)
    _, idx = jax.lax.top_k(-dist, k)  # [N, k]
    return idx


def reference(X, W1, b1, g1, be1, W2, b2, g2, be2, W3, b3, g3, be3):
    n, d = X.shape
    idx = _knn_idx(X, K)  # [N, K] neighbor indices (non-differentiable)
    x_i = jnp.broadcast_to(X[:, None, :], (n, K, d)).reshape(-1, d)  # target features, gathered per edge
    x_j = jnp.take(X, idx.reshape(-1), axis=0)  # source (neighbor) features via gather
    e = jnp.concatenate([x_i, x_j - x_i], axis=-1)  # [N*K, 2D]
    h = jax.nn.relu(_bn_train(e @ W1 + b1, g1, be1))
    h = jax.nn.relu(_bn_train(h @ W2 + b2, g2, be2))
    h = jax.nn.relu(_bn_train(h @ W3 + b3, g3, be3))  # [N*K, H]
    # aggr='add': scatter-add messages to target nodes
    seg = jnp.repeat(jnp.arange(n, dtype=jnp.int32), K)
    out = jax.ops.segment_sum(h, seg, num_segments=n)  # [N, H]
    return out

if __name__ == "__main__":
    import jax
    _d = setup_inputs()
    print(jax.jit(kernel)(*tuple(_d.values())))

</pallas_src>

<mosaic_0001>
#map = affine_map<(d0, d1) -> (0)>
#map1 = affine_map<(d0, d1) -> (0, 0)>
module attributes {stable_mosaic.version = 14 : i64} {
  func.func @gather_k(%arg0: i32, %arg1: i32, %arg2: memref<163840xi32, #tpu.memory_space<hbm>>, %arg3: memref<10240x256xf32, #tpu.memory_space<hbm>>, %arg4: memref<163840x256xf32, #tpu.memory_space<hbm>>, %arg5: memref<128xi32, #tpu.memory_space<vmem>>, %arg6: memref<128x256xf32, #tpu.memory_space<vmem>>, %arg7: memref<!tpu.dma_semaphore, #tpu.memory_space<semaphore_mem>>) attributes {dimension_semantics = [#tpu.dimension_semantics<core_parallel>, #tpu.dimension_semantics<subcore_parallel>], iteration_bounds = array<i64: 2, 16>, scalar_prefetch = 0 : i64, scratch_operands = 3 : i64, tpu.core_type = #tpu.core_type<sc_vector_subcore>, window_params = [{transform_indices = #map}, {transform_indices = #map1}, {transform_indices = #map1}]} {
    %mul3A = arith.constant 2 : i32
    %mul3A_0 = arith.muli %arg1, %mul3A : i32
    %add3A = arith.addi %mul3A_0, %arg0 : i32
    %mul3A_1 = arith.constant 5120 : i32
    %mul3A_2 = arith.muli %add3A, %mul3A_1 : i32
    %scan3A = arith.constant 0 : i32
    %scan3A_3 = arith.constant 0 : i32
    %scan3A_4 = arith.constant 40 : i32
    %scan3A_5 = arith.addi %scan3A_3, %scan3A_4 : i32
    %scan3A_6 = arith.constant 1 : i32
    scf.for %scan3A_8 = %scan3A_3 to %scan3A_5 step %scan3A_6  : i32 {
      %mul3A_9 = arith.constant 128 : i32
      %mul3A_10 = arith.muli %scan3A_8, %mul3A_9 : i32
      %add3A_11 = arith.addi %mul3A_2, %mul3A_10 : i32
      "tpu.region"() ({
        %run_scoped3A = tpu.sem_alloc : memref<!tpu.dma_semaphore, #tpu.memory_space<semaphore_mem>>
        %dma_start3A_16 = tpu.memref_slice %arg2[%add3A_11] : memref<163840xi32, #tpu.memory_space<hbm>> -> memref<128xi32, #tpu.memory_space<hbm>>
        %dma_start3A_17 = tpu.memref_slice %arg2[%add3A_11] : memref<163840xi32, #tpu.memory_space<hbm>> -> memref<128xi32, #tpu.memory_space<hbm>>
        tpu.enqueue_dma source(%dma_start3A_17 : memref<128xi32, #tpu.memory_space<hbm>>) target(%arg5 : memref<128xi32, #tpu.memory_space<vmem>>) target_semaphore(%run_scoped3A : memref<!tpu.dma_semaphore, #tpu.memory_space<semaphore_mem>>)
        %dma_wait3A_18 = tpu.memref_slice %arg2[%add3A_11] : memref<163840xi32, #tpu.memory_space<hbm>> -> memref<128xi32, #tpu.memory_space<hbm>>
        %dma_wait3A_19 = tpu.memref_slice %arg2[%add3A_11] : memref<163840xi32, #tpu.memory_space<hbm>> -> memref<128xi32, #tpu.memory_space<hbm>>
        tpu.wait_dma2 semaphore(%run_scoped3A : memref<!tpu.dma_semaphore, #tpu.memory_space<semaphore_mem>>) src(%dma_wait3A_19 : memref<128xi32, #tpu.memory_space<hbm>>) dst(%arg5 : memref<128xi32, #tpu.memory_space<vmem>>)
        tpu.yield
      }) : () -> ()
      %dma_start3A = arith.constant 0 : i32
      %dma_start3A_12 = arith.constant 0 : i32
      %dma_start3A_13 = tpu.memref_slice %arg3[%dma_start3A, %dma_start3A_12] : memref<10240x256xf32, #tpu.memory_space<hbm>> -> memref<10240x256xf32, #tpu.memory_space<hbm>>
      tpu.enqueue_indirect_dma source(%dma_start3A_13 : memref<10240x256xf32, #tpu.memory_space<hbm>>) target(%arg6 : memref<128x256xf32, #tpu.memory_space<vmem>>) offsets(%arg5 : memref<128xi32, #tpu.memory_space<vmem>>) semaphore(%arg7 : memref<!tpu.dma_semaphore, #tpu.memory_space<semaphore_mem>>)
      %dma_wait3A = arith.constant 0 : i32
      %dma_wait3A_14 = arith.constant 0 : i32
      %dma_wait3A_15 = tpu.memref_slice %arg3[%dma_wait3A, %dma_wait3A_14] : memref<10240x256xf32, #tpu.memory_space<hbm>> -> memref<10240x256xf32, #tpu.memory_space<hbm>>
      tpu.wait_indirect_dma semaphore(%arg7 : memref<!tpu.dma_semaphore, #tpu.memory_space<semaphore_mem>>) src(%dma_wait3A_15 : memref<10240x256xf32, #tpu.memory_space<hbm>>) dst(%arg6 : memref<128x256xf32, #tpu.memory_space<vmem>>)
      "tpu.region"() ({
        %run_scoped3A = tpu.sem_alloc : memref<!tpu.dma_semaphore, #tpu.memory_space<semaphore_mem>>
        %dma_start3A_16 = arith.constant 0 : i32
        %dma_start3A_17 = tpu.memref_slice %arg4[%add3A_11, %dma_start3A_16] : memref<163840x256xf32, #tpu.memory_space<hbm>> -> memref<128x256xf32, #tpu.memory_space<hbm>>
        %dma_start3A_18 = arith.constant 0 : i32
        %dma_start3A_19 = tpu.memref_slice %arg4[%add3A_11, %dma_start3A_18] : memref<163840x256xf32, #tpu.memory_space<hbm>> -> memref<128x256xf32, #tpu.memory_space<hbm>>
        tpu.enqueue_dma source(%arg6 : memref<128x256xf32, #tpu.memory_space<vmem>>) target(%dma_start3A_19 : memref<128x256xf32, #tpu.memory_space<hbm>>) target_semaphore(%run_scoped3A : memref<!tpu.dma_semaphore, #tpu.memory_space<semaphore_mem>>)
        %dma_wait3A_20 = arith.constant 0 : i32
        %dma_wait3A_21 = tpu.memref_slice %arg4[%add3A_11, %dma_wait3A_20] : memref<163840x256xf32, #tpu.memory_space<hbm>> -> memref<128x256xf32, #tpu.memory_space<hbm>>
        %dma_wait3A_22 = arith.constant 0 : i32
        %dma_wait3A_23 = tpu.memref_slice %arg4[%add3A_11, %dma_wait3A_22] : memref<163840x256xf32, #tpu.memory_space<hbm>> -> memref<128x256xf32, #tpu.memory_space<hbm>>
        tpu.wait_dma2 semaphore(%run_scoped3A : memref<!tpu.dma_semaphore, #tpu.memory_space<semaphore_mem>>) src(%arg6 : memref<128x256xf32, #tpu.memory_space<vmem>>) dst(%dma_wait3A_23 : memref<128x256xf32, #tpu.memory_space<hbm>>)
        tpu.yield
      }) : () -> ()
    }
    %scan3A_7 = arith.constant 40 : i32
    return
  }
}

module attributes {stable_mosaic.version = 14 : i64} {
  func.func @_knn_body(%arg0: i32, %arg1: i32, %arg2: memref<256x128xf32, #tpu.memory_space<vmem>>, %arg3: memref<10240x128xf32, #tpu.memory_space<vmem>>, %arg4: memref<256x16xi32, #tpu.memory_space<vmem>>, %arg5: memref<256x16xf32, #tpu.memory_space<vmem>>, %arg6: memref<256x16xi32, #tpu.memory_space<vmem>>, %arg7: memref<256x10240xf32, #tpu.memory_space<vmem>>, %arg8: memref<256x10240xi32, #tpu.memory_space<vmem>>) attributes {dimension_semantics = [#tpu.dimension_semantics<arbitrary>, #tpu.dimension_semantics<arbitrary>], iteration_bounds = array<i64: 40, 1>, scalar_prefetch = 0 : i64, scratch_operands = 4 : i64, tpu.core_type = #tpu.core_type<tc>, window_params = [{transform_indices = @transform_0, window_bounds = array<i64: 256, 128>}, {transform_indices = @transform_1, window_bounds = array<i64: 10240, 128>}, {transform_indices = @transform_2, window_bounds = array<i64: 256, 16>}]} {
    %get3A = arith.constant 0 : index
    %get3A_0 = arith.constant 0 : index
    %get3A_1 = vector.load %arg2[%get3A, %get3A_0] : memref<256x128xf32, #tpu.memory_space<vmem>>, vector<256x128xf32>
    %get3A_2 = arith.constant 0 : index
    %get3A_3 = arith.constant 0 : index
    %get3A_4 = vector.load %arg3[%get3A_2, %get3A_3] : memref<10240x128xf32, #tpu.memory_space<vmem>>, vector<10240x128xf32>
    %mul3A = arith.mulf %get3A_1, %get3A_1 : vector<256x128xf32>
    %reduce_sum3A = arith.constant dense<0.000000e+00> : vector<256xf32>
    %reduce_sum3A_5 = vector.multi_reduction <add>, %mul3A, %reduce_sum3A [1] : vector<256x128xf32> to vector<256xf32>
    %mul3A_6 = arith.mulf %get3A_4, %get3A_4 : vector<10240x128xf32>
    %reduce_sum3A_7 = arith.constant dense<0.000000e+00> : vector<10240xf32>
    %reduce_sum3A_8 = vector.multi_reduction <add>, %mul3A_6, %reduce_sum3A_7 [1] : vector<10240x128xf32> to vector<10240xf32>
    %dot_general3A = arith.constant dense<0.000000e+00> : vector<256x10240xf32>
    %dot_general3A_9 = tpu.matmul %get3A_1, %get3A_4, %dot_general3A {dimension_numbers = #tpu.dot_dimension_numbers<[1], [1], [0], [0], [0, 0, 1, 0], [], []>, transpose_lhs_hint = false} : vector<256x128xf32>, vector<10240x128xf32>, vector<256x10240xf32> -> vector<256x10240xf32>
    %broadcast_in_dim3A = vector.shape_cast %reduce_sum3A_5 : vector<256xf32> to vector<256x1xf32>
    %broadcast_in_dim3A_10 = vector.shape_cast %reduce_sum3A_8 : vector<10240xf32> to vector<1x10240xf32>
    %add3A = vector.broadcast %broadcast_in_dim3A : vector<256x1xf32> to vector<256x10240xf32>
    %add3A_11 = vector.broadcast %broadcast_in_dim3A_10 : vector<1x10240xf32> to vector<256x10240xf32>
    %add3A_12 = arith.addf %add3A, %add3A_11 : vector<256x10240xf32>
    %mul3A_13 = arith.constant 2.000000e+00 : f32
    %mul3A_14 = vector.broadcast %mul3A_13 : f32 to vector<256x10240xf32>
    %mul3A_15 = arith.mulf %mul3A_14, %dot_general3A_9 : vector<256x10240xf32>
    %sub3A = arith.subf %add3A_12, %mul3A_15 : vector<256x10240xf32>
    %mul3A_16 = arith.constant 10240 : i32
    %mul3A_17 = arith.muli %arg1, %mul3A_16 : i32
    %iota3A = tpu.iota {dimensions = array<i32: 1>} : vector<256x10240xi32>
    %add3A_18 = vector.broadcast %mul3A_17 : i32 to vector<256x10240xi32>
    %add3A_19 = arith.addi %add3A_18, %iota3A : vector<256x10240xi32>
    %lt3A = arith.constant 10000 : i32
    %lt3A_20 = vector.broadcast %lt3A : i32 to vector<256x10240xi32>
    %lt3A_21 = arith.cmpi slt, %add3A_19, %lt3A_20 : vector<256x10240xi32>
    %jit3A = arith.constant 3.000000e+38 : f32
    %broadcast_in_dim3A_22 = vector.broadcast %jit3A : f32 to vector<256x10240xf32>
    %select_n3A = arith.select %lt3A_21, %sub3A, %broadcast_in_dim3A_22 : vector<256x10240xi1>, vector<256x10240xf32>
    %swap3A = arith.constant 0 : index
    %swap3A_23 = arith.constant 0 : index
    %swap3A_24 = vector.load %arg7[%swap3A, %swap3A_23] : memref<256x10240xf32, #tpu.memory_space<vmem>>, vector<256x10240xf32>
    tpu.vector_store %arg7[%swap3A, %swap3A_23], %select_n3A {strides = array<i32>} : memref<256x10240xf32, #tpu.memory_space<vmem>>, vector<256x10240xf32>,
    %swap3A_25 = arith.constant 0 : index
    %swap3A_26 = arith.constant 0 : index
    %swap3A_27 = vector.load %arg8[%swap3A_25, %swap3A_26] : memref<256x10240xi32, #tpu.memory_space<vmem>>, vector<256x10240xi32>
    tpu.vector_store %arg8[%swap3A_25, %swap3A_26], %add3A_19 {strides = array<i32>} : memref<256x10240xi32, #tpu.memory_space<vmem>>, vector<256x10240xi32>,
    %eq3A = arith.constant 0 : i32
    %eq3A_28 = arith.cmpi eq, %arg1, %eq3A : i32
    %convert_element_type3A = arith.extui %eq3A_28 : i1 to i32
    %cond3A = arith.constant 0 : i32
    %cond3A_29 = arith.cmpi ne, %convert_element_type3A, %cond3A : i32
    scf.if %cond3A_29 {
      %broadcast_in_dim3A_40 = arith.constant 3.000000e+38 : f32
      %broadcast_in_dim3A_41 = vector.broadcast %broadcast_in_dim3A_40 : f32 to vector<256x16xf32>
      %swap3A_42 = arith.constant 0 : index
      %swap3A_43 = arith.constant 0 : index
      %swap3A_44 = vector.load %arg5[%swap3A_42, %swap3A_43] : memref<256x16xf32, #tpu.memory_space<vmem>>, vector<256x16xf32>
      tpu.vector_store %arg5[%swap3A_42, %swap3A_43], %broadcast_in_dim3A_41 {strides = array<i32>} : memref<256x16xf32, #tpu.memory_space<vmem>>, vector<256x16xf32>,
      %broadcast_in_dim3A_45 = arith.constant 1073741824 : i32
      %broadcast_in_dim3A_46 = vector.broadcast %broadcast_in_dim3A_45 : i32 to vector<256x16xi32>
      %swap3A_47 = arith.constant 0 : index
      %swap3A_48 = arith.constant 0 : index
      %swap3A_49 = vector.load %arg6[%swap3A_47, %swap3A_48] : memref<256x16xi32, #tpu.memory_space<vmem>>, vector<256x16xi32>
      tpu.vector_store %arg6[%swap3A_47, %swap3A_48], %broadcast_in_dim3A_46 {strides = array<i32>} : memref<256x16xi32, #tpu.memory_space<vmem>>, vector<256x16xi32>,
    } else {
    }
    %iota3A_30 = tpu.iota {dimensions = array<i32: 1>} : vector<256x16xi32>
    %gt3A = arith.constant 0 : i32
    %gt3A_31 = vector.broadcast %gt3A : i32 to vector<256x16xi32>
    %gt3A_32 = arith.cmpi sgt, %iota3A_30, %gt3A_31 : vector<256x16xi32>
    %reduce_min3A = arith.constant dense<0x7F800000> : vector<256xf32>
    %reduce_min3A_33 = vector.multi_reduction <minimumf>, %select_n3A, %reduce_min3A [1] : vector<256x10240xf32> to vector<256xf32>
    %broadcast_in_dim3A_34 = vector.shape_cast %reduce_min3A_33 : vector<256xf32> to vector<256x1xf32>
    %while3A = scf.while (%while3A_40 = %broadcast_in_dim3A_34) : (vector<256x1xf32>) -> vector<256x1xf32> {
      %get3A_41 = arith.constant 0 : index
      %get3A_42 = arith.constant 15 : index
      %get3A_43 = vector.load %arg5[%get3A_41, %get3A_42] : memref<256x16xf32, #tpu.memory_space<vmem>>, vector<256x1xf32>
      %lt3A_44 = arith.cmpf olt, %while3A_40, %get3A_43 : vector<256x1xf32>
      %reduce_or3A = arith.constant 1.000000e+00 : f32
      %reduce_or3A_45 = arith.constant 0.000000e+00 : f32
      %reduce_or3A_46 = vector.broadcast %reduce_or3A : f32 to vector<256x1xf32>
      %reduce_or3A_47 = vector.broadcast %reduce_or3A_45 : f32 to vector<256x1xf32>
      %reduce_or3A_48 = arith.select %lt3A_44, %reduce_or3A_46, %reduce_or3A_47 : vector<256x1xi1>, vector<256x1xf32>
      %reduce_or3A_49 = vector.shape_cast %reduce_or3A_48 : vector<256x1xf32> to vector<1x256x1xf32>
      %reduce_or3A_50 = arith.constant dense<0xFF800000> : vector<1xf32>
      %reduce_or3A_51 = vector.multi_reduction <maximumf>, %reduce_or3A_49, %reduce_or3A_50 [1, 2] : vector<1x256x1xf32> to vector<1xf32>
      %reduce_or3A_52 = vector.shape_cast %reduce_or3A_51 : vector<1xf32> to vector<1x1x1xf32>
      %reduce_or3A_53 = vector.extract %reduce_or3A_52[0, 0, 0] : f32 from vector<1x1x1xf32>
      %reduce_or3A_54 = arith.constant 0.000000e+00 : f32
      %reduce_or3A_55 = arith.cmpf ogt, %reduce_or3A_53, %reduce_or3A_54 : f32
      scf.condition(%reduce_or3A_55) %while3A_40 : vector<256x1xf32>
    } do {
    ^bb0(%while3A_40: vector<256x1xf32>):
      %get3A_41 = arith.constant 0 : index
      %get3A_42 = arith.constant 0 : index
      %get3A_43 = vector.load %arg7[%get3A_41, %get3A_42] : memref<256x10240xf32, #tpu.memory_space<vmem>>, vector<256x10240xf32>
      %get3A_44 = arith.constant 0 : index
      %get3A_45 = arith.constant 0 : index
      %get3A_46 = vector.load %arg8[%get3A_44, %get3A_45] : memref<256x10240xi32, #tpu.memory_space<vmem>>, vector<256x10240xi32>
      %eq3A_47 = vector.broadcast %while3A_40 : vector<256x1xf32> to vector<256x10240xf32>
      %eq3A_48 = arith.cmpf oeq, %get3A_43, %eq3A_47 : vector<256x10240xf32>
      %jit3A_49 = arith.constant 1073741824 : i32
      %broadcast_in_dim3A_50 = vector.broadcast %jit3A_49 : i32 to vector<256x10240xi32>
      %select_n3A_51 = arith.select %eq3A_48, %get3A_46, %broadcast_in_dim3A_50 : vector<256x10240xi1>, vector<256x10240xi32>
      %reduce_min3A_52 = arith.constant dense<2147483647> : vector<256xi32>
      %reduce_min3A_53 = vector.multi_reduction <minsi>, %select_n3A_51, %reduce_min3A_52 [1] : vector<256x10240xi32> to vector<256xi32>
      %broadcast_in_dim3A_54 = vector.shape_cast %reduce_min3A_53 : vector<256xi32> to vector<256x1xi32>
      %eq3A_55 = vector.broadcast %broadcast_in_dim3A_54 : vector<256x1xi32> to vector<256x10240xi32>
      %eq3A_56 = arith.cmpi eq, %get3A_46, %eq3A_55 : vector<256x10240xi32>
      %jit3A_57 = arith.constant 3.000000e+38 : f32
      %broadcast_in_dim3A_58 = vector.broadcast %jit3A_57 : f32 to vector<256x10240xf32>
      %select_n3A_59 = arith.select %eq3A_56, %broadcast_in_dim3A_58, %get3A_43 : vector<256x10240xi1>, vector<256x10240xf32>
      %swap3A_60 = arith.constant 0 : index
      %swap3A_61 = arith.constant 0 : index
      %swap3A_62 = vector.load %arg7[%swap3A_60, %swap3A_61] : memref<256x10240xf32, #tpu.memory_space<vmem>>, vector<256x10240xf32>
      tpu.vector_store %arg7[%swap3A_60, %swap3A_61], %select_n3A_59 {strides = array<i32>} : memref<256x10240xf32, #tpu.memory_space<vmem>>, vector<256x10240xf32>,
      %get3A_63 = arith.constant 0 : index
      %get3A_64 = arith.constant 0 : index
      %get3A_65 = vector.load %arg5[%get3A_63, %get3A_64] : memref<256x16xf32, #tpu.memory_space<vmem>>, vector<256x16xf32>
      %get3A_66 = arith.constant 0 : index
      %get3A_67 = arith.constant 0 : index
      %get3A_68 = vector.load %arg6[%get3A_66, %get3A_67] : memref<256x16xi32, #tpu.memory_space<vmem>>, vector<256x16xi32>
      %gt3A_69 = vector.broadcast %while3A_40 : vector<256x1xf32> to vector<256x16xf32>
      %gt3A_70 = arith.cmpf ogt, %get3A_65, %gt3A_69 : vector<256x16xf32>
      %slice3A = vector.extract_strided_slice %get3A_65 {offsets = [0, 15], sizes = [256, 1], strides = [1, 1]} : vector<256x16xf32> to vector<256x1xf32>
      %slice3A_71 = vector.extract_strided_slice %get3A_65 {offsets = [0, 0], sizes = [256, 15], strides = [1, 1]} : vector<256x16xf32> to vector<256x15xf32>
      %concatenate3A = tpu.concatenate %slice3A, %slice3A_71 in 1 : vector<256x1xf32>, vector<256x15xf32> -> vector<256x16xf32>
      %gt3A_72 = vector.broadcast %while3A_40 : vector<256x1xf32> to vector<256x16xf32>
      %gt3A_73 = arith.cmpf ogt, %concatenate3A, %gt3A_72 : vector<256x16xf32>
      %and3A = arith.andi %gt3A_73, %gt3A_32 : vector<256x16xi1>
      %broadcast_in_dim3A_74 = vector.shape_cast %while3A_40 : vector<256x1xf32> to vector<256x1xf32>
      %broadcast_in_dim3A_75 = vector.broadcast %broadcast_in_dim3A_74 : vector<256x1xf32> to vector<256x16xf32>
      %select_n3A_76 = arith.select %and3A, %concatenate3A, %broadcast_in_dim3A_75 : vector<256x16xi1>, vector<256x16xf32>
      %select_n3A_77 = arith.select %gt3A_70, %select_n3A_76, %get3A_65 : vector<256x16xi1>, vector<256x16xf32>
      %swap3A_78 = arith.constant 0 : index
      %swap3A_79 = arith.constant 0 : index
      %swap3A_80 = vector.load %arg5[%swap3A_78, %swap3A_79] : memref<256x16xf32, #tpu.memory_space<vmem>>, vector<256x16xf32>
      tpu.vector_store %arg5[%swap3A_78, %swap3A_79], %select_n3A_77 {strides = array<i32>} : memref<256x16xf32, #tpu.memory_space<vmem>>, vector<256x16xf32>,
      %slice3A_81 = vector.extract_strided_slice %get3A_68 {offsets = [0, 15], sizes = [256, 1], strides = [1, 1]} : vector<256x16xi32> to vector<256x1xi32>
      %slice3A_82 = vector.extract_strided_slice %get3A_68 {offsets = [0, 0], sizes = [256, 15], strides = [1, 1]} : vector<256x16xi32> to vector<256x15xi32>
      %concatenate3A_83 = tpu.concatenate %slice3A_81, %slice3A_82 in 1 : vector<256x1xi32>, vector<256x15xi32> -> vector<256x16xi32>
      %broadcast_in_dim3A_84 = vector.shape_cast %broadcast_in_dim3A_54 : vector<256x1xi32> to vector<256x1xi32>
      %broadcast_in_dim3A_85 = vector.broadcast %broadcast_in_dim3A_84 : vector<256x1xi32> to vector<256x16xi32>
      %select_n3A_86 = arith.select %and3A, %concatenate3A_83, %broadcast_in_dim3A_85 : vector<256x16xi1>, vector<256x16xi32>
      %select_n3A_87 = arith.select %gt3A_70, %select_n3A_86, %get3A_68 : vector<256x16xi1>, vector<256x16xi32>
      %swap3A_88 = arith.constant 0 : index
      %swap3A_89 = arith.constant 0 : index
      %swap3A_90 = vector.load %arg6[%swap3A_88, %swap3A_89] : memref<256x16xi32, #tpu.memory_space<vmem>>, vector<256x16xi32>
      tpu.vector_store %arg6[%swap3A_88, %swap3A_89], %select_n3A_87 {strides = array<i32>} : memref<256x16xi32, #tpu.memory_space<vmem>>, vector<256x16xi32>,
      %reduce_min3A_91 = arith.constant dense<0x7F800000> : vector<256xf32>
      %reduce_min3A_92 = vector.multi_reduction <minimumf>, %select_n3A_59, %reduce_min3A_91 [1] : vector<256x10240xf32> to vector<256xf32>
      %broadcast_in_dim3A_93 = vector.shape_cast %reduce_min3A_92 : vector<256xf32> to vector<256x1xf32>
      scf.yield %broadcast_in_dim3A_93 : vector<256x1xf32>
    }
    %eq3A_35 = arith.constant 0 : i32
    %eq3A_36 = arith.cmpi eq, %arg1, %eq3A_35 : i32
    %convert_element_type3A_37 = arith.extui %eq3A_36 : i1 to i32
    %cond3A_38 = arith.constant 0 : i32
    %cond3A_39 = arith.cmpi ne, %convert_element_type3A_37, %cond3A_38 : i32
    scf.if %cond3A_39 {
      %get3A_40 = arith.constant 0 : index
      %get3A_41 = arith.constant 0 : index
      %get3A_42 = vector.load %arg6[%get3A_40, %get3A_41] : memref<256x16xi32, #tpu.memory_space<vmem>>, vector<256x16xi32>
      %swap3A_43 = arith.constant 0 : index
      %swap3A_44 = arith.constant 0 : index
      %swap3A_45 = vector.load %arg4[%swap3A_43, %swap3A_44] : memref<256x16xi32, #tpu.memory_space<vmem>>, vector<256x16xi32>
      tpu.vector_store %arg4[%swap3A_43, %swap3A_44], %get3A_42 {strides = array<i32>} : memref<256x16xi32, #tpu.memory_space<vmem>>, vector<256x16xi32>,
    } else {
    }
    return
  }
  func.func @transform_0(%arg0: i32, %arg1: i32) -> (i32, i32) {
    %c0_i32 = arith.constant 0 : i32
    %c0_i32_0 = arith.constant 0 : i32
    return %arg0, %c0_i32 : i32, i32
  }
  func.func @transform_1(%arg0: i32, %arg1: i32) -> (i32, i32) {
    %c0_i32 = arith.constant 0 : i32
    %c0_i32_0 = arith.constant 0 : i32
    return %arg1, %c0_i32 : i32, i32
  }
  func.func @transform_2(%arg0: i32, %arg1: i32) -> (i32, i32) {
    %c0_i32 = arith.constant 0 : i32
    %c0_i32_0 = arith.constant 0 : i32
    return %arg0, %c0_i32 : i32, i32
  }
}

module attributes {stable_mosaic.version = 14 : i64} {
  func.func @_prep_body(%arg0: i32, %arg1: memref<256x128xf32, #tpu.memory_space<vmem>>, %arg2: memref<128x256xf32, #tpu.memory_space<vmem>>, %arg3: memref<128x256xf32, #tpu.memory_space<vmem>>, %arg4: memref<1x256xf32, #tpu.memory_space<vmem>>, %arg5: memref<256x256xf32, #tpu.memory_space<vmem>>, %arg6: memref<256x256xf32, #tpu.memory_space<vmem>>) attributes {dimension_semantics = [#tpu.dimension_semantics<arbitrary>], iteration_bounds = array<i64: 40>, scalar_prefetch = 0 : i64, scratch_operands = 0 : i64, tpu.core_type = #tpu.core_type<tc>, window_params = [{transform_indices = @transform_0, window_bounds = array<i64: 256, 128>}, {pipeline_mode = #tpu.pipeline_mode<synchronous>, transform_indices = @transform_1, window_bounds = array<i64: 128, 256>}, {pipeline_mode = #tpu.pipeline_mode<synchronous>, transform_indices = @transform_2, window_bounds = array<i64: 128, 256>}, {pipeline_mode = #tpu.pipeline_mode<synchronous>, transform_indices = @transform_3, window_bounds = array<i64: 1, 256>}, {transform_indices = @transform_4, window_bounds = array<i64: 256, 256>}, {transform_indices = @transform_5, window_bounds = array<i64: 256, 256>}]} {
    %get3A = arith.constant 0 : index
    %get3A_0 = arith.constant 0 : index
    %get3A_1 = vector.load %arg1[%get3A, %get3A_0] : memref<256x128xf32, #tpu.memory_space<vmem>>, vector<256x128xf32>
    %get3A_2 = arith.constant 0 : index
    %get3A_3 = arith.constant 0 : index
    %get3A_4 = vector.load %arg2[%get3A_2, %get3A_3] : memref<128x256xf32, #tpu.memory_space<vmem>>, vector<128x256xf32>
    %dot_general3A = arith.constant dense<0.000000e+00> : vector<256x256xf32>
    %dot_general3A_5 = tpu.matmul %get3A_1, %get3A_4, %dot_general3A {dimension_numbers = #tpu.dot_dimension_numbers<[1], [0], [0], [1], [0, 0, 1, 1], [], []>, transpose_lhs_hint = false} : vector<256x128xf32>, vector<128x256xf32>, vector<256x256xf32> -> vector<256x256xf32>
    %get3A_6 = arith.constant 0 : index
    %get3A_7 = arith.constant 0 : index
    %get3A_8 = vector.load %arg4[%get3A_6, %get3A_7] : memref<1x256xf32, #tpu.memory_space<vmem>>, vector<1x256xf32>
    %add3A = vector.broadcast %get3A_8 : vector<1x256xf32> to vector<256x256xf32>
    %add3A_9 = arith.addf %dot_general3A_5, %add3A : vector<256x256xf32>
    %swap3A = arith.constant 0 : index
    %swap3A_10 = arith.constant 0 : index
    %swap3A_11 = vector.load %arg5[%swap3A, %swap3A_10] : memref<256x256xf32, #tpu.memory_space<vmem>>, vector<256x256xf32>
    tpu.vector_store %arg5[%swap3A, %swap3A_10], %add3A_9 {strides = array<i32>} : memref<256x256xf32, #tpu.memory_space<vmem>>, vector<256x256xf32>,
    %get3A_12 = arith.constant 0 : index
    %get3A_13 = arith.constant 0 : index
    %get3A_14 = vector.load %arg3[%get3A_12, %get3A_13] : memref<128x256xf32, #tpu.memory_space<vmem>>, vector<128x256xf32>
    %dot_general3A_15 = arith.constant dense<0.000000e+00> : vector<256x256xf32>
    %dot_general3A_16 = tpu.matmul %get3A_1, %get3A_14, %dot_general3A_15 {dimension_numbers = #tpu.dot_dimension_numbers<[1], [0], [0], [1], [0, 0, 1, 1], [], []>, transpose_lhs_hint = false} : vector<256x128xf32>, vector<128x256xf32>, vector<256x256xf32> -> vector<256x256xf32>
    %swap3A_17 = arith.constant 0 : index
    %swap3A_18 = arith.constant 0 : index
    %swap3A_19 = vector.load %arg6[%swap3A_17, %swap3A_18] : memref<256x256xf32, #tpu.memory_space<vmem>>, vector<256x256xf32>
    tpu.vector_store %arg6[%swap3A_17, %swap3A_18], %dot_general3A_16 {strides = array<i32>} : memref<256x256xf32, #tpu.memory_space<vmem>>, vector<256x256xf32>,
    return
  }
  func.func @transform_0(%arg0: i32) -> (i32, i32) {
    %c0_i32 = arith.constant 0 : i32
    %c0_i32_0 = arith.constant 0 : i32
    return %arg0, %c0_i32 : i32, i32
  }
  func.func @transform_1(%arg0: i32) -> (i32, i32) {
    %c0_i32 = arith.constant 0 : i32
    %c0_i32_0 = arith.constant 0 : i32
    %c0_i32_1 = arith.constant 0 : i32
    return %c0_i32, %c0_i32_0 : i32, i32
  }
  func.func @transform_2(%arg0: i32) -> (i32, i32) {
    %c0_i32 = arith.constant 0 : i32
    %c0_i32_0 = arith.constant 0 : i32
    %c0_i32_1 = arith.constant 0 : i32
    return %c0_i32, %c0_i32_0 : i32, i32
  }
  func.func @transform_3(%arg0: i32) -> (i32, i32) {
    %c0_i32 = arith.constant 0 : i32
    %c0_i32_0 = arith.constant 0 : i32
    %c0_i32_1 = arith.constant 0 : i32
    return %c0_i32, %c0_i32_0 : i32, i32
  }
  func.func @transform_4(%arg0: i32) -> (i32, i32) {
    %c0_i32 = arith.constant 0 : i32
    %c0_i32_0 = arith.constant 0 : i32
    return %arg0, %c0_i32 : i32, i32
  }
  func.func @transform_5(%arg0: i32) -> (i32, i32) {
    %c0_i32 = arith.constant 0 : i32
    %c0_i32_0 = arith.constant 0 : i32
    return %arg0, %c0_i32 : i32, i32
  }
}

module attributes {stable_mosaic.version = 14 : i64} {
  func.func @_stats1_body(%arg0: i32, %arg1: memref<256x16x256xf32, #tpu.memory_space<vmem>>, %arg2: memref<256x256xf32, #tpu.memory_space<vmem>>, %arg3: memref<2x256xf32, #tpu.memory_space<vmem>>) attributes {dimension_semantics = [#tpu.dimension_semantics<arbitrary>], iteration_bounds = array<i64: 40>, scalar_prefetch = 0 : i64, scratch_operands = 0 : i64, tpu.core_type = #tpu.core_type<tc>, window_params = [{transform_indices = @transform_0, window_bounds = array<i64: 256, 16, 256>}, {transform_indices = @transform_1, window_bounds = array<i64: 256, 256>}, {pipeline_mode = #tpu.pipeline_mode<synchronous>, transform_indices = @transform_2, window_bounds = array<i64: 2, 256>}]} {
    %get3A = arith.constant 0 : index
    %get3A_0 = arith.constant 0 : index
    %get3A_1 = vector.load %arg2[%get3A, %get3A_0] : memref<256x256xf32, #tpu.memory_space<vmem>>, vector<256x256xf32>
    %broadcast_in_dim3A = vector.shape_cast %get3A_1 : vector<256x256xf32> to vector<256x1x256xf32>
    %broadcast_in_dim3A_2 = vector.broadcast %broadcast_in_dim3A : vector<256x1x256xf32> to vector<256x16x256xf32>
    %get3A_3 = arith.constant 0 : index
    %get3A_4 = arith.constant 0 : index
    %get3A_5 = arith.constant 0 : index
    %get3A_6 = vector.load %arg1[%get3A_3, %get3A_4, %get3A_5] : memref<256x16x256xf32, #tpu.memory_space<vmem>>, vector<256x16x256xf32>
    %add3A = arith.addf %broadcast_in_dim3A_2, %get3A_6 : vector<256x16x256xf32>
    %reshape3A = vector.shape_cast %add3A : vector<256x16x256xf32> to vector<4096x256xf32>
    %mul3A = arith.constant 4096 : i32
    %mul3A_7 = arith.muli %arg0, %mul3A : i32
    %iota3A = tpu.iota {dimensions = array<i32: 0>} : vector<4096x1xi32>
    %add3A_8 = vector.broadcast %mul3A_7 : i32 to vector<4096x1xi32>
    %add3A_9 = arith.addi %add3A_8, %iota3A : vector<4096x1xi32>
    %lt3A = arith.constant 160000 : i32
    %lt3A_10 = vector.broadcast %lt3A : i32 to vector<4096x1xi32>
    %lt3A_11 = arith.cmpi slt, %add3A_9, %lt3A_10 : vector<4096x1xi32>
    %broadcast_in_dim3A_12 = vector.shape_cast %lt3A_11 : vector<4096x1xi1> to vector<4096x1xi1>
    %broadcast_in_dim3A_13 = vector.broadcast %broadcast_in_dim3A_12 : vector<4096x1xi1> to vector<4096x256xi1>
    %jit3A = arith.constant 0.000000e+00 : f32
    %broadcast_in_dim3A_14 = vector.broadcast %jit3A : f32 to vector<4096x256xf32>
    %select_n3A = arith.select %broadcast_in_dim3A_13, %reshape3A, %broadcast_in_dim3A_14 : vector<4096x256xi1>, vector<4096x256xf32>
    %eq3A = arith.constant 0 : i32
    %eq3A_15 = arith.cmpi eq, %arg0, %eq3A : i32
    %convert_element_type3A = arith.extui %eq3A_15 : i1 to i32
    %cond3A = arith.constant 0 : i32
    %cond3A_16 = arith.cmpi ne, %convert_element_type3A, %cond3A : i32
    scf.if %cond3A_16 {
      %broadcast_in_dim3A_36 = arith.constant 0.000000e+00 : f32
      %broadcast_in_dim3A_37 = vector.broadcast %broadcast_in_dim3A_36 : f32 to vector<2x256xf32>
      %swap3A_38 = arith.constant 0 : index
      %swap3A_39 = arith.constant 0 : index
      %swap3A_40 = vector.load %arg3[%swap3A_38, %swap3A_39] : memref<2x256xf32, #tpu.memory_space<vmem>>, vector<2x256xf32>
      tpu.vector_store %arg3[%swap3A_38, %swap3A_39], %broadcast_in_dim3A_37 {strides = array<i32>} : memref<2x256xf32, #tpu.memory_space<vmem>>, vector<2x256xf32>,
    } else {
    }
    %get3A_17 = arith.constant 0 : index
    %get3A_18 = arith.constant 0 : index
    %get3A_19 = vector.load %arg3[%get3A_17, %get3A_18] : memref<2x256xf32, #tpu.memory_space<vmem>>, vector<1x256xf32>
    %reduce_sum3A = arith.constant dense<0.000000e+00> : vector<256xf32>
    %reduce_sum3A_20 = vector.multi_reduction <add>, %select_n3A, %reduce_sum3A [0] : vector<4096x256xf32> to vector<256xf32>
    %broadcast_in_dim3A_21 = vector.shape_cast %reduce_sum3A_20 : vector<256xf32> to vector<1x256xf32>
    %add3A_22 = arith.addf %get3A_19, %broadcast_in_dim3A_21 : vector<1x256xf32>
    %swap3A = arith.constant 0 : index
    %swap3A_23 = arith.constant 0 : index
    %swap3A_24 = vector.load %arg3[%swap3A, %swap3A_23] : memref<2x256xf32, #tpu.memory_space<vmem>>, vector<1x256xf32>
    tpu.vector_store %arg3[%swap3A, %swap3A_23], %add3A_22 {strides = array<i32>} : memref<2x256xf32, #tpu.memory_space<vmem>>, vector<1x256xf32>,
    %get3A_25 = arith.constant 1 : index
    %get3A_26 = arith.constant 0 : index
    %get3A_27 = vector.load %arg3[%get3A_25, %get3A_26] : memref<2x256xf32, #tpu.memory_space<vmem>>, vector<1x256xf32>
    %mul3A_28 = arith.mulf %select_n3A, %reshape3A : vector<4096x256xf32>
    %reduce_sum3A_29 = arith.constant dense<0.000000e+00> : vector<256xf32>
    %reduce_sum3A_30 = vector.multi_reduction <add>, %mul3A_28, %reduce_sum3A_29 [0] : vector<4096x256xf32> to vector<256xf32>
    %broadcast_in_dim3A_31 = vector.shape_cast %reduce_sum3A_30 : vector<256xf32> to vector<1x256xf32>
    %add3A_32 = arith.addf %get3A_27, %broadcast_in_dim3A_31 : vector<1x256xf32>
    %swap3A_33 = arith.constant 1 : index
    %swap3A_34 = arith.constant 0 : index
    %swap3A_35 = vector.load %arg3[%swap3A_33, %swap3A_34] : memref<2x256xf32, #tpu.memory_space<vmem>>, vector<1x256xf32>
    tpu.vector_store %arg3[%swap3A_33, %swap3A_34], %add3A_32 {strides = array<i32>} : memref<2x256xf32, #tpu.memory_space<vmem>>, vector<1x256xf32>,
    return
  }
  func.func @transform_0(%arg0: i32) -> (i32, i32, i32) {
    %c0_i32 = arith.constant 0 : i32
    %c0_i32_0 = arith.constant 0 : i32
    %c0_i32_1 = arith.constant 0 : i32
    return %arg0, %c0_i32, %c0_i32_0 : i32, i32, i32
  }
  func.func @transform_1(%arg0: i32) -> (i32, i32) {
    %c0_i32 = arith.constant 0 : i32
    %c0_i32_0 = arith.constant 0 : i32
    return %arg0, %c0_i32 : i32, i32
  }
  func.func @transform_2(%arg0: i32) -> (i32, i32) {
    %c0_i32 = arith.constant 0 : i32
    %c0_i32_0 = arith.constant 0 : i32
    %c0_i32_1 = arith.constant 0 : i32
    return %c0_i32, %c0_i32_0 : i32, i32
  }
}

module attributes {stable_mosaic.version = 14 : i64} {
  func.func @_layer1_body(%arg0: i32, %arg1: memref<256x16x256xf32, #tpu.memory_space<vmem>>, %arg2: memref<256x256xf32, #tpu.memory_space<vmem>>, %arg3: memref<1x256xf32, #tpu.memory_space<vmem>>, %arg4: memref<1x256xf32, #tpu.memory_space<vmem>>, %arg5: memref<256x256xf32, #tpu.memory_space<vmem>>, %arg6: memref<1x256xf32, #tpu.memory_space<vmem>>, %arg7: memref<4096x256xf32, #tpu.memory_space<vmem>>, %arg8: memref<2x256xf32, #tpu.memory_space<vmem>>) attributes {dimension_semantics = [#tpu.dimension_semantics<arbitrary>], iteration_bounds = array<i64: 40>, scalar_prefetch = 0 : i64, scratch_operands = 0 : i64, tpu.core_type = #tpu.core_type<tc>, window_params = [{transform_indices = @transform_0, window_bounds = array<i64: 256, 16, 256>}, {transform_indices = @transform_1, window_bounds = array<i64: 256, 256>}, {pipeline_mode = #tpu.pipeline_mode<synchronous>, transform_indices = @transform_2, window_bounds = array<i64: 1, 256>}, {pipeline_mode = #tpu.pipeline_mode<synchronous>, transform_indices = @transform_3, window_bounds = array<i64: 1, 256>}, {pipeline_mode = #tpu.pipeline_mode<synchronous>, transform_indices = @transform_4, window_bounds = array<i64: 256, 256>}, {pipeline_mode = #tpu.pipeline_mode<synchronous>, transform_indices = @transform_5, window_bounds = array<i64: 1, 256>}, {transform_indices = @transform_6, window_bounds = array<i64: 4096, 256>}, {pipeline_mode = #tpu.pipeline_mode<synchronous>, transform_indices = @transform_7, window_bounds = array<i64: 2, 256>}]} {
    %get3A = arith.constant 0 : index
    %get3A_0 = arith.constant 0 : index
    %get3A_1 = vector.load %arg2[%get3A, %get3A_0] : memref<256x256xf32, #tpu.memory_space<vmem>>, vector<256x256xf32>
    %broadcast_in_dim3A = vector.shape_cast %get3A_1 : vector<256x256xf32> to vector<256x1x256xf32>
    %broadcast_in_dim3A_2 = vector.broadcast %broadcast_in_dim3A : vector<256x1x256xf32> to vector<256x16x256xf32>
    %get3A_3 = arith.constant 0 : index
    %get3A_4 = arith.constant 0 : index
    %get3A_5 = arith.constant 0 : index
    %get3A_6 = vector.load %arg1[%get3A_3, %get3A_4, %get3A_5] : memref<256x16x256xf32, #tpu.memory_space<vmem>>, vector<256x16x256xf32>
    %add3A = arith.addf %broadcast_in_dim3A_2, %get3A_6 : vector<256x16x256xf32>
    %reshape3A = vector.shape_cast %add3A : vector<256x16x256xf32> to vector<4096x256xf32>
    %get3A_7 = arith.constant 0 : index
    %get3A_8 = arith.constant 0 : index
    %get3A_9 = vector.load %arg3[%get3A_7, %get3A_8] : memref<1x256xf32, #tpu.memory_space<vmem>>, vector<1x256xf32>
    %mul3A = vector.broadcast %get3A_9 : vector<1x256xf32> to vector<4096x256xf32>
    %mul3A_10 = arith.mulf %reshape3A, %mul3A : vector<4096x256xf32>
    %get3A_11 = arith.constant 0 : index
    %get3A_12 = arith.constant 0 : index
    %get3A_13 = vector.load %arg4[%get3A_11, %get3A_12] : memref<1x256xf32, #tpu.memory_space<vmem>>, vector<1x256xf32>
    %add3A_14 = vector.broadcast %get3A_13 : vector<1x256xf32> to vector<4096x256xf32>
    %add3A_15 = arith.addf %mul3A_10, %add3A_14 : vector<4096x256xf32>
    %max3A = arith.constant 0.000000e+00 : f32
    %max3A_16 = vector.broadcast %max3A : f32 to vector<4096x256xf32>
    %max3A_17 = arith.maximumf %add3A_15, %max3A_16 : vector<4096x256xf32>
    %get3A_18 = arith.constant 0 : index
    %get3A_19 = arith.constant 0 : index
    %get3A_20 = vector.load %arg5[%get3A_18, %get3A_19] : memref<256x256xf32, #tpu.memory_space<vmem>>, vector<256x256xf32>
    %dot_general3A = arith.constant dense<0.000000e+00> : vector<4096x256xf32>
    %dot_general3A_21 = tpu.matmul %max3A_17, %get3A_20, %dot_general3A {dimension_numbers = #tpu.dot_dimension_numbers<[1], [0], [0], [1], [0, 0, 1, 1], [], []>, transpose_lhs_hint = false} : vector<4096x256xf32>, vector<256x256xf32>, vector<4096x256xf32> -> vector<4096x256xf32>
    %get3A_22 = arith.constant 0 : index
    %get3A_23 = arith.constant 0 : index
    %get3A_24 = vector.load %arg6[%get3A_22, %get3A_23] : memref<1x256xf32, #tpu.memory_space<vmem>>, vector<1x256xf32>
    %add3A_25 = vector.broadcast %get3A_24 : vector<1x256xf32> to vector<4096x256xf32>
    %add3A_26 = arith.addf %dot_general3A_21, %add3A_25 : vector<4096x256xf32>
    %swap3A = arith.constant 0 : index
    %swap3A_27 = arith.constant 0 : index
    %swap3A_28 = vector.load %arg7[%swap3A, %swap3A_27] : memref<4096x256xf32, #tpu.memory_space<vmem>>, vector<4096x256xf32>
    tpu.vector_store %arg7[%swap3A, %swap3A_27], %add3A_26 {strides = array<i32>} : memref<4096x256xf32, #tpu.memory_space<vmem>>, vector<4096x256xf32>,
    %mul3A_29 = arith.constant 4096 : i32
    %mul3A_30 = arith.muli %arg0, %mul3A_29 : i32
    %iota3A = tpu.iota {dimensions = array<i32: 0>} : vector<4096x1xi32>
    %add3A_31 = vector.broadcast %mul3A_30 : i32 to vector<4096x1xi32>
    %add3A_32 = arith.addi %add3A_31, %iota3A : vector<4096x1xi32>
    %lt3A = arith.constant 160000 : i32
    %lt3A_33 = vector.broadcast %lt3A : i32 to vector<4096x1xi32>
    %lt3A_34 = arith.cmpi slt, %add3A_32, %lt3A_33 : vector<4096x1xi32>
    %broadcast_in_dim3A_35 = vector.shape_cast %lt3A_34 : vector<4096x1xi1> to vector<4096x1xi1>
    %broadcast_in_dim3A_36 = vector.broadcast %broadcast_in_dim3A_35 : vector<4096x1xi1> to vector<4096x256xi1>
    %jit3A = arith.constant 0.000000e+00 : f32
    %broadcast_in_dim3A_37 = vector.broadcast %jit3A : f32 to vector<4096x256xf32>
    %select_n3A = arith.select %broadcast_in_dim3A_36, %add3A_26, %broadcast_in_dim3A_37 : vector<4096x256xi1>, vector<4096x256xf32>
    %eq3A = arith.constant 0 : i32
    %eq3A_38 = arith.cmpi eq, %arg0, %eq3A : i32
    %convert_element_type3A = arith.extui %eq3A_38 : i1 to i32
    %cond3A = arith.constant 0 : i32
    %cond3A_39 = arith.cmpi ne, %convert_element_type3A, %cond3A : i32
    scf.if %cond3A_39 {
      %broadcast_in_dim3A_60 = arith.constant 0.000000e+00 : f32
      %broadcast_in_dim3A_61 = vector.broadcast %broadcast_in_dim3A_60 : f32 to vector<2x256xf32>
      %swap3A_62 = arith.constant 0 : index
      %swap3A_63 = arith.constant 0 : index
      %swap3A_64 = vector.load %arg8[%swap3A_62, %swap3A_63] : memref<2x256xf32, #tpu.memory_space<vmem>>, vector<2x256xf32>
      tpu.vector_store %arg8[%swap3A_62, %swap3A_63], %broadcast_in_dim3A_61 {strides = array<i32>} : memref<2x256xf32, #tpu.memory_space<vmem>>, vector<2x256xf32>,
    } else {
    }
    %get3A_40 = arith.constant 0 : index
    %get3A_41 = arith.constant 0 : index
    %get3A_42 = vector.load %arg8[%get3A_40, %get3A_41] : memref<2x256xf32, #tpu.memory_space<vmem>>, vector<1x256xf32>
    %reduce_sum3A = arith.constant dense<0.000000e+00> : vector<256xf32>
    %reduce_sum3A_43 = vector.multi_reduction <add>, %select_n3A, %reduce_sum3A [0] : vector<4096x256xf32> to vector<256xf32>
    %broadcast_in_dim3A_44 = vector.shape_cast %reduce_sum3A_43 : vector<256xf32> to vector<1x256xf32>
    %add3A_45 = arith.addf %get3A_42, %broadcast_in_dim3A_44 : vector<1x256xf32>
    %swap3A_46 = arith.constant 0 : index
    %swap3A_47 = arith.constant 0 : index
    %swap3A_48 = vector.load %arg8[%swap3A_46, %swap3A_47] : memref<2x256xf32, #tpu.memory_space<vmem>>, vector<1x256xf32>
    tpu.vector_store %arg8[%swap3A_46, %swap3A_47], %add3A_45 {strides = array<i32>} : memref<2x256xf32, #tpu.memory_space<vmem>>, vector<1x256xf32>,
    %get3A_49 = arith.constant 1 : index
    %get3A_50 = arith.constant 0 : index
    %get3A_51 = vector.load %arg8[%get3A_49, %get3A_50] : memref<2x256xf32, #tpu.memory_space<vmem>>, vector<1x256xf32>
    %mul3A_52 = arith.mulf %select_n3A, %add3A_26 : vector<4096x256xf32>
    %reduce_sum3A_53 = arith.constant dense<0.000000e+00> : vector<256xf32>
    %reduce_sum3A_54 = vector.multi_reduction <add>, %mul3A_52, %reduce_sum3A_53 [0] : vector<4096x256xf32> to vector<256xf32>
    %broadcast_in_dim3A_55 = vector.shape_cast %reduce_sum3A_54 : vector<256xf32> to vector<1x256xf32>
    %add3A_56 = arith.addf %get3A_51, %broadcast_in_dim3A_55 : vector<1x256xf32>
    %swap3A_57 = arith.constant 1 : index
    %swap3A_58 = arith.constant 0 : index
    %swap3A_59 = vector.load %arg8[%swap3A_57, %swap3A_58] : memref<2x256xf32, #tpu.memory_space<vmem>>, vector<1x256xf32>
    tpu.vector_store %arg8[%swap3A_57, %swap3A_58], %add3A_56 {strides = array<i32>} : memref<2x256xf32, #tpu.memory_space<vmem>>, vector<1x256xf32>,
    return
  }
  func.func @transform_0(%arg0: i32) -> (i32, i32, i32) {
    %c0_i32 = arith.constant 0 : i32
    %c0_i32_0 = arith.constant 0 : i32
    %c0_i32_1 = arith.constant 0 : i32
    return %arg0, %c0_i32, %c0_i32_0 : i32, i32, i32
  }
  func.func @transform_1(%arg0: i32) -> (i32, i32) {
    %c0_i32 = arith.constant 0 : i32
    %c0_i32_0 = arith.constant 0 : i32
    return %arg0, %c0_i32 : i32, i32
  }
  func.func @transform_2(%arg0: i32) -> (i32, i32) {
    %c0_i32 = arith.constant 0 : i32
    %c0_i32_0 = arith.constant 0 : i32
    %c0_i32_1 = arith.constant 0 : i32
    return %c0_i32, %c0_i32_0 : i32, i32
  }
  func.func @transform_3(%arg0: i32) -> (i32, i32) {
    %c0_i32 = arith.constant 0 : i32
    %c0_i32_0 = arith.constant 0 : i32
    %c0_i32_1 = arith.constant 0 : i32
    return %c0_i32, %c0_i32_0 : i32, i32
  }
  func.func @transform_4(%arg0: i32) -> (i32, i32) {
    %c0_i32 = arith.constant 0 : i32
    %c0_i32_0 = arith.constant 0 : i32
    %c0_i32_1 = arith.constant 0 : i32
    return %c0_i32, %c0_i32_0 : i32, i32
  }
  func.func @transform_5(%arg0: i32) -> (i32, i32) {
    %c0_i32 = arith.constant 0 : i32
    %c0_i32_0 = arith.constant 0 : i32
    %c0_i32_1 = arith.constant 0 : i32
    return %c0_i32, %c0_i32_0 : i32, i32
  }
  func.func @transform_6(%arg0: i32) -> (i32, i32) {
    %c0_i32 = arith.constant 0 : i32
    %c0_i32_0 = arith.constant 0 : i32
    return %arg0, %c0_i32 : i32, i32
  }
  func.func @transform_7(%arg0: i32) -> (i32, i32) {
    %c0_i32 = arith.constant 0 : i32
    %c0_i32_0 = arith.constant 0 : i32
    %c0_i32_1 = arith.constant 0 : i32
    return %c0_i32, %c0_i32_0 : i32, i32
  }
}

module attributes {stable_mosaic.version = 14 : i64} {
  func.func @_layer2_body(%arg0: i32, %arg1: memref<4096x256xf32, #tpu.memory_space<vmem>>, %arg2: memref<1x256xf32, #tpu.memory_space<vmem>>, %arg3: memref<1x256xf32, #tpu.memory_space<vmem>>, %arg4: memref<256x256xf32, #tpu.memory_space<vmem>>, %arg5: memref<1x256xf32, #tpu.memory_space<vmem>>, %arg6: memref<4096x256xf32, #tpu.memory_space<vmem>>, %arg7: memref<2x256xf32, #tpu.memory_space<vmem>>) attributes {dimension_semantics = [#tpu.dimension_semantics<arbitrary>], iteration_bounds = array<i64: 40>, scalar_prefetch = 0 : i64, scratch_operands = 0 : i64, tpu.core_type = #tpu.core_type<tc>, window_params = [{transform_indices = @transform_0, window_bounds = array<i64: 4096, 256>}, {pipeline_mode = #tpu.pipeline_mode<synchronous>, transform_indices = @transform_1, window_bounds = array<i64: 1, 256>}, {pipeline_mode = #tpu.pipeline_mode<synchronous>, transform_indices = @transform_2, window_bounds = array<i64: 1, 256>}, {pipeline_mode = #tpu.pipeline_mode<synchronous>, transform_indices = @transform_3, window_bounds = array<i64: 256, 256>}, {pipeline_mode = #tpu.pipeline_mode<synchronous>, transform_indices = @transform_4, window_bounds = array<i64: 1, 256>}, {transform_indices = @transform_5, window_bounds = array<i64: 4096, 256>}, {pipeline_mode = #tpu.pipeline_mode<synchronous>, transform_indices = @transform_6, window_bounds = array<i64: 2, 256>}]} {
    %get3A = arith.constant 0 : index
    %get3A_0 = arith.constant 0 : index
    %get3A_1 = vector.load %arg1[%get3A, %get3A_0] : memref<4096x256xf32, #tpu.memory_space<vmem>>, vector<4096x256xf32>
    %get3A_2 = arith.constant 0 : index
    %get3A_3 = arith.constant 0 : index
    %get3A_4 = vector.load %arg2[%get3A_2, %get3A_3] : memref<1x256xf32, #tpu.memory_space<vmem>>, vector<1x256xf32>
    %mul3A = vector.broadcast %get3A_4 : vector<1x256xf32> to vector<4096x256xf32>
    %mul3A_5 = arith.mulf %get3A_1, %mul3A : vector<4096x256xf32>
    %get3A_6 = arith.constant 0 : index
    %get3A_7 = arith.constant 0 : index
    %get3A_8 = vector.load %arg3[%get3A_6, %get3A_7] : memref<1x256xf32, #tpu.memory_space<vmem>>, vector<1x256xf32>
    %add3A = vector.broadcast %get3A_8 : vector<1x256xf32> to vector<4096x256xf32>
    %add3A_9 = arith.addf %mul3A_5, %add3A : vector<4096x256xf32>
    %max3A = arith.constant 0.000000e+00 : f32
    %max3A_10 = vector.broadcast %max3A : f32 to vector<4096x256xf32>
    %max3A_11 = arith.maximumf %add3A_9, %max3A_10 : vector<4096x256xf32>
    %get3A_12 = arith.constant 0 : index
    %get3A_13 = arith.constant 0 : index
    %get3A_14 = vector.load %arg4[%get3A_12, %get3A_13] : memref<256x256xf32, #tpu.memory_space<vmem>>, vector<256x256xf32>
    %dot_general3A = arith.constant dense<0.000000e+00> : vector<4096x256xf32>
    %dot_general3A_15 = tpu.matmul %max3A_11, %get3A_14, %dot_general3A {dimension_numbers = #tpu.dot_dimension_numbers<[1], [0], [0], [1], [0, 0, 1, 1], [], []>, transpose_lhs_hint = false} : vector<4096x256xf32>, vector<256x256xf32>, vector<4096x256xf32> -> vector<4096x256xf32>
    %get3A_16 = arith.constant 0 : index
    %get3A_17 = arith.constant 0 : index
    %get3A_18 = vector.load %arg5[%get3A_16, %get3A_17] : memref<1x256xf32, #tpu.memory_space<vmem>>, vector<1x256xf32>
    %add3A_19 = vector.broadcast %get3A_18 : vector<1x256xf32> to vector<4096x256xf32>
    %add3A_20 = arith.addf %dot_general3A_15, %add3A_19 : vector<4096x256xf32>
    %swap3A = arith.constant 0 : index
    %swap3A_21 = arith.constant 0 : index
    %swap3A_22 = vector.load %arg6[%swap3A, %swap3A_21] : memref<4096x256xf32, #tpu.memory_space<vmem>>, vector<4096x256xf32>
    tpu.vector_store %arg6[%swap3A, %swap3A_21], %add3A_20 {strides = array<i32>} : memref<4096x256xf32, #tpu.memory_space<vmem>>, vector<4096x256xf32>,
    %mul3A_23 = arith.constant 4096 : i32
    %mul3A_24 = arith.muli %arg0, %mul3A_23 : i32
    %iota3A = tpu.iota {dimensions = array<i32: 0>} : vector<4096x1xi32>
    %add3A_25 = vector.broadcast %mul3A_24 : i32 to vector<4096x1xi32>
    %add3A_26 = arith.addi %add3A_25, %iota3A : vector<4096x1xi32>
    %lt3A = arith.constant 160000 : i32
    %lt3A_27 = vector.broadcast %lt3A : i32 to vector<4096x1xi32>
    %lt3A_28 = arith.cmpi slt, %add3A_26, %lt3A_27 : vector<4096x1xi32>
    %broadcast_in_dim3A = vector.shape_cast %lt3A_28 : vector<4096x1xi1> to vector<4096x1xi1>
    %broadcast_in_dim3A_29 = vector.broadcast %broadcast_in_dim3A : vector<4096x1xi1> to vector<4096x256xi1>
    %jit3A = arith.constant 0.000000e+00 : f32
    %broadcast_in_dim3A_30 = vector.broadcast %jit3A : f32 to vector<4096x256xf32>
    %select_n3A = arith.select %broadcast_in_dim3A_29, %add3A_20, %broadcast_in_dim3A_30 : vector<4096x256xi1>, vector<4096x256xf32>
    %eq3A = arith.constant 0 : i32
    %eq3A_31 = arith.cmpi eq, %arg0, %eq3A : i32
    %convert_element_type3A = arith.extui %eq3A_31 : i1 to i32
    %cond3A = arith.constant 0 : i32
    %cond3A_32 = arith.cmpi ne, %convert_element_type3A, %cond3A : i32
    scf.if %cond3A_32 {
      %broadcast_in_dim3A_53 = arith.constant 0.000000e+00 : f32
      %broadcast_in_dim3A_54 = vector.broadcast %broadcast_in_dim3A_53 : f32 to vector<2x256xf32>
      %swap3A_55 = arith.constant 0 : index
      %swap3A_56 = arith.constant 0 : index
      %swap3A_57 = vector.load %arg7[%swap3A_55, %swap3A_56] : memref<2x256xf32, #tpu.memory_space<vmem>>, vector<2x256xf32>
      tpu.vector_store %arg7[%swap3A_55, %swap3A_56], %broadcast_in_dim3A_54 {strides = array<i32>} : memref<2x256xf32, #tpu.memory_space<vmem>>, vector<2x256xf32>,
    } else {
    }
    %get3A_33 = arith.constant 0 : index
    %get3A_34 = arith.constant 0 : index
    %get3A_35 = vector.load %arg7[%get3A_33, %get3A_34] : memref<2x256xf32, #tpu.memory_space<vmem>>, vector<1x256xf32>
    %reduce_sum3A = arith.constant dense<0.000000e+00> : vector<256xf32>
    %reduce_sum3A_36 = vector.multi_reduction <add>, %select_n3A, %reduce_sum3A [0] : vector<4096x256xf32> to vector<256xf32>
    %broadcast_in_dim3A_37 = vector.shape_cast %reduce_sum3A_36 : vector<256xf32> to vector<1x256xf32>
    %add3A_38 = arith.addf %get3A_35, %broadcast_in_dim3A_37 : vector<1x256xf32>
    %swap3A_39 = arith.constant 0 : index
    %swap3A_40 = arith.constant 0 : index
    %swap3A_41 = vector.load %arg7[%swap3A_39, %swap3A_40] : memref<2x256xf32, #tpu.memory_space<vmem>>, vector<1x256xf32>
    tpu.vector_store %arg7[%swap3A_39, %swap3A_40], %add3A_38 {strides = array<i32>} : memref<2x256xf32, #tpu.memory_space<vmem>>, vector<1x256xf32>,
    %get3A_42 = arith.constant 1 : index
    %get3A_43 = arith.constant 0 : index
    %get3A_44 = vector.load %arg7[%get3A_42, %get3A_43] : memref<2x256xf32, #tpu.memory_space<vmem>>, vector<1x256xf32>
    %mul3A_45 = arith.mulf %select_n3A, %add3A_20 : vector<4096x256xf32>
    %reduce_sum3A_46 = arith.constant dense<0.000000e+00> : vector<256xf32>
    %reduce_sum3A_47 = vector.multi_reduction <add>, %mul3A_45, %reduce_sum3A_46 [0] : vector<4096x256xf32> to vector<256xf32>
    %broadcast_in_dim3A_48 = vector.shape_cast %reduce_sum3A_47 : vector<256xf32> to vector<1x256xf32>
    %add3A_49 = arith.addf %get3A_44, %broadcast_in_dim3A_48 : vector<1x256xf32>
    %swap3A_50 = arith.constant 1 : index
    %swap3A_51 = arith.constant 0 : index
    %swap3A_52 = vector.load %arg7[%swap3A_50, %swap3A_51] : memref<2x256xf32, #tpu.memory_space<vmem>>, vector<1x256xf32>
    tpu.vector_store %arg7[%swap3A_50, %swap3A_51], %add3A_49 {strides = array<i32>} : memref<2x256xf32, #tpu.memory_space<vmem>>, vector<1x256xf32>,
    return
  }
  func.func @transform_0(%arg0: i32) -> (i32, i32) {
    %c0_i32 = arith.constant 0 : i32
    %c0_i32_0 = arith.constant 0 : i32
    return %arg0, %c0_i32 : i32, i32
  }
  func.func @transform_1(%arg0: i32) -> (i32, i32) {
    %c0_i32 = arith.constant 0 : i32
    %c0_i32_0 = arith.constant 0 : i32
    %c0_i32_1 = arith.constant 0 : i32
    return %c0_i32, %c0_i32_0 : i32, i32
  }
  func.func @transform_2(%arg0: i32) -> (i32, i32) {
    %c0_i32 = arith.constant 0 : i32
    %c0_i32_0 = arith.constant 0 : i32
    %c0_i32_1 = arith.constant 0 : i32
    return %c0_i32, %c0_i32_0 : i32, i32
  }
  func.func @transform_3(%arg0: i32) -> (i32, i32) {
    %c0_i32 = arith.constant 0 : i32
    %c0_i32_0 = arith.constant 0 : i32
    %c0_i32_1 = arith.constant 0 : i32
    return %c0_i32, %c0_i32_0 : i32, i32
  }
  func.func @transform_4(%arg0: i32) -> (i32, i32) {
    %c0_i32 = arith.constant 0 : i32
    %c0_i32_0 = arith.constant 0 : i32
    %c0_i32_1 = arith.constant 0 : i32
    return %c0_i32, %c0_i32_0 : i32, i32
  }
  func.func @transform_5(%arg0: i32) -> (i32, i32) {
    %c0_i32 = arith.constant 0 : i32
    %c0_i32_0 = arith.constant 0 : i32
    return %arg0, %c0_i32 : i32, i32
  }
  func.func @transform_6(%arg0: i32) -> (i32, i32) {
    %c0_i32 = arith.constant 0 : i32
    %c0_i32_0 = arith.constant 0 : i32
    %c0_i32_1 = arith.constant 0 : i32
    return %c0_i32, %c0_i32_0 : i32, i32
  }
}

module attributes {stable_mosaic.version = 14 : i64} {
  func.func @_final_body(%arg0: i32, %arg1: memref<256x16x256xf32, #tpu.memory_space<vmem>>, %arg2: memref<1x256xf32, #tpu.memory_space<vmem>>, %arg3: memref<1x256xf32, #tpu.memory_space<vmem>>, %arg4: memref<256x256xf32, #tpu.memory_space<vmem>>) attributes {dimension_semantics = [#tpu.dimension_semantics<arbitrary>], iteration_bounds = array<i64: 40>, scalar_prefetch = 0 : i64, scratch_operands = 0 : i64, tpu.core_type = #tpu.core_type<tc>, window_params = [{transform_indices = @transform_0, window_bounds = array<i64: 256, 16, 256>}, {pipeline_mode = #tpu.pipeline_mode<synchronous>, transform_indices = @transform_1, window_bounds = array<i64: 1, 256>}, {pipeline_mode = #tpu.pipeline_mode<synchronous>, transform_indices = @transform_2, window_bounds = array<i64: 1, 256>}, {transform_indices = @transform_3, window_bounds = array<i64: 256, 256>}]} {
    %get3A = arith.constant 0 : index
    %get3A_0 = arith.constant 0 : index
    %get3A_1 = arith.constant 0 : index
    %get3A_2 = vector.load %arg1[%get3A, %get3A_0, %get3A_1] : memref<256x16x256xf32, #tpu.memory_space<vmem>>, vector<256x16x256xf32>
    %reshape3A = vector.shape_cast %get3A_2 : vector<256x16x256xf32> to vector<4096x256xf32>
    %get3A_3 = arith.constant 0 : index
    %get3A_4 = arith.constant 0 : index
    %get3A_5 = vector.load %arg2[%get3A_3, %get3A_4] : memref<1x256xf32, #tpu.memory_space<vmem>>, vector<1x256xf32>
    %mul3A = vector.broadcast %get3A_5 : vector<1x256xf32> to vector<4096x256xf32>
    %mul3A_6 = arith.mulf %reshape3A, %mul3A : vector<4096x256xf32>
    %get3A_7 = arith.constant 0 : index
    %get3A_8 = arith.constant 0 : index
    %get3A_9 = vector.load %arg3[%get3A_7, %get3A_8] : memref<1x256xf32, #tpu.memory_space<vmem>>, vector<1x256xf32>
    %add3A = vector.broadcast %get3A_9 : vector<1x256xf32> to vector<4096x256xf32>
    %add3A_10 = arith.addf %mul3A_6, %add3A : vector<4096x256xf32>
    %max3A = arith.constant 0.000000e+00 : f32
    %max3A_11 = vector.broadcast %max3A : f32 to vector<4096x256xf32>
    %max3A_12 = arith.maximumf %add3A_10, %max3A_11 : vector<4096x256xf32>
    %reshape3A_13 = vector.shape_cast %max3A_12 : vector<4096x256xf32> to vector<256x16x256xf32>
    %reduce_sum3A = arith.constant dense<0.000000e+00> : vector<256x256xf32>
    %reduce_sum3A_14 = vector.multi_reduction <add>, %reshape3A_13, %reduce_sum3A [1] : vector<256x16x256xf32> to vector<256x256xf32>
    %swap3A = arith.constant 0 : index
    %swap3A_15 = arith.constant 0 : index
    %swap3A_16 = vector.load %arg4[%swap3A, %swap3A_15] : memref<256x256xf32, #tpu.memory_space<vmem>>, vector<256x256xf32>
    tpu.vector_store %arg4[%swap3A, %swap3A_15], %reduce_sum3A_14 {strides = array<i32>} : memref<256x256xf32, #tpu.memory_space<vmem>>, vector<256x256xf32>,
    return
  }
  func.func @transform_0(%arg0: i32) -> (i32, i32, i32) {
    %c0_i32 = arith.constant 0 : i32
    %c0_i32_0 = arith.constant 0 : i32
    %c0_i32_1 = arith.constant 0 : i32
    return %arg0, %c0_i32, %c0_i32_0 : i32, i32, i32
  }
  func.func @transform_1(%arg0: i32) -> (i32, i32) {
    %c0_i32 = arith.constant 0 : i32
    %c0_i32_0 = arith.constant 0 : i32
    %c0_i32_1 = arith.constant 0 : i32
    return %c0_i32, %c0_i32_0 : i32, i32
  }
  func.func @transform_2(%arg0: i32) -> (i32, i32) {
    %c0_i32 = arith.constant 0 : i32
    %c0_i32_0 = arith.constant 0 : i32
    %c0_i32_1 = arith.constant 0 : i32
    return %c0_i32, %c0_i32_0 : i32, i32
  }
  func.func @transform_3(%arg0: i32) -> (i32, i32) {
    %c0_i32 = arith.constant 0 : i32
    %c0_i32_0 = arith.constant 0 : i32
    return %arg0, %c0_i32 : i32, i32
  }
}

</mosaic_0001>

<sc_bundles>
// kernel: kernel.9.cloned.1.call-start
scs
__scs_entry_jumppad:
0x0: {  	(pc) =	sbr.rel $0x88, $3  }
0x1: {  	(tag) =	ssettag $0x0;
	lr =	simm.s32 $0x1  }
0x2: {  	[smem:$0x3F94] =	sst lr;
	_ =	strace $0xD0000000  }
0x3: {  	_ = 	snop  }
0x4: {  	_ = 	snop  }
0x5: {  	_ = 	snop  }
0x6: {  	_ = 	snop  }
0x7: {  	_ = 	snop  }
__scs_overlays_trampoline_lowered:
0x8: {  	[smem:$0x3FA3] =	sst s0  }
0x9: {  	[smem:$0x3FA4] =	sst s1  }
0xa: {  	[smem:$0x3FA5] =	sst s2  }
0xb: {  	[smem:$0x3FA6] =	sst s3  }
0xc: {  	[smem:$0x3FA7] =	sst s4  }
0xd: {  	[smem:$0x3FA8] =	sst s5  }
0xe: {  	[smem:$0x3FA9] =	sst s6  }
0xf: {  	[smem:$0x3FAA] =	sst s7  }
0x10: {  	[smem:$0x3FAB] =	sst s8  }
0x11: {  	[smem:$0x3FAC] =	sst s9;
	s0 =	simm.s32 @!p0 $0x0  }
0x12: {  	s1 =	sld [smem:$0x3F92];
	s0 =	simm.s32 @p0 $0x1  }
0x13: {  	[smem:$0x3FAD] =	sst s0;
	s0 =	simm.s32 @!p1 $0x0  }
0x14: {  	s2 =	sld [smem:$0x3F91];
	s0 =	simm.s32 @p1 $0x1  }
0x15: {  	[smem:$0x3FAE] =	sst s0;
	s0 =	simm.s32 @!p2 $0x0  }
0x16: {  	s3 =	sld [smem:$0x3FDB];
	s0 =	simm.s32 @p2 $0x1  }
0x17: {  	s4 =	simm.s32 $0x1BF5;
	[smem:$0x3FB0] =	sst s0  }
0x18: {  	s0 =	sld [smem:$0x3F93];
	_ =	swait.ge [sflag:s4], $0x0  }
0x19: {  	s7 =	sld [smem:$0x3F94]  }
0x1a: {  	s8 =	sadd.s32 $0xFFFFE003, lr  }
0x1b: {  	s9 =	sadd.s32 $0xFFFFFEF7, lr;
	s5 =	simm.s32 $0xFFFFFFFF;
	p2 =	slt.u32 s8, $0xFFFFF086  }
0x1c: {  	p1 =	slt.u32 s9, $0xF7A;
	s5 =	simm.s32 @!p2 $0x0  }
0x1d: {  	s5 =	simm.s32 @p1 $0x1;
	p0 =	seq.s32 s7, s2  }
0x1e: {  	s7 =	smul.u32 @!p0 $0xF7A, s2;
	p2 =	seq.s32 @!p0 s5, $0x0  }
0x1f: {  	s9 =	smul.u32 $0xF7A, s1;
	s8 =	simm.s32 @!p0 $0x1BF5;
	p2 =	por !p2, p0  }
0x20: {  	[sflag:s8] =	ssyncset.s32 @!p0 $0xFFFFF086;
	s6 =	sadd.s32 @!p0 s3, s7;
	s7 =	simm.s32 @!p0 $0x108  }
0x21: {  	s3 =	sadd.s32 s3, s9;
	s6 =	sadd.s32 @!p0 $0x88, s6;
	s7 =	simm.s32 @p2 $0x1082  }
0x22: {  	[simem:s7], [sflag:s8] =	dma.local @!p0 [hbm:s6], $0xF7A  }
0x23: {  	s9 =	sor.u32 $0xD0000000, s2;
	s6 =	simm.s32 $0x108;
	_ =	swait.ge @!p0 [sflag:s8], $0x0  }
0x24: {  	s3 =	sadd.s32 $0x88, s3;
	s6 =	simm.s32 @!p1 $0x1082;
	[sflag:s4] =	ssyncset.s32 $0xFFFFF086  }
0x25: {  	[simem:s6], [sflag:s4] =	dma.local [hbm:s3], $0xF7A  }
0x26: {  	[smem:$0x3F94] =	sst s1;
	(tag) =	ssettag s2;
	_ =	strace s9  }
0x27: {  	s1 =	sld [smem:$0x3FA4]  }
0x28: {  	s2 =	sld [smem:$0x3FA5]  }
0x29: {  	s4 =	sld [smem:$0x3FA7]  }
0x2a: {  	p0 =	seq.s32 s5, $0x0;
	s5 =	sld [smem:$0x3FA8]  }
0x2b: {  	s6 =	sld [smem:$0x3FA9]  }
0x2c: {  	s7 =	sld [smem:$0x3FAA]  }
0x2d: {  	s3 =	simm.s32 $0x108;
	s8 =	sld [smem:$0x3FAB]  }
0x2e: {  	s3 =	simm.s32 @!p0 $0x1082;
	s9 =	sld [smem:$0x3FAC]  }
0x2f: {  	lr =	sadd.s32 s0, s3;
	s0 =	sld [smem:$0x3FA3]  }
0x30: {  	s3 =	sld [smem:$0x3FA6]  }
0x31: {  	[smem:$0x3FAF] =	sst s10  }
0x32: {  	s10 =	sld [smem:$0x3FAD];
	_ =	sdelay $0x3  }
0x33: {  	p0 =	seq.s32 s10, $0x1;
	s10 =	sld [smem:$0x3FAF];
	_ =	sdelay $0x3  }
0x34: {  	[smem:$0x3FAF] =	sst s10  }
0x35: {  	s10 =	sld [smem:$0x3FAE];
	_ =	sdelay $0x3  }
0x36: {  	p1 =	seq.s32 s10, $0x1;
	s10 =	sld [smem:$0x3FAF];
	_ =	sdelay $0x3  }
0x37: {  	[smem:$0x3FAF] =	sst s10  }
0x38: {  	s10 =	sld [smem:$0x3FB0]  }
0x39: {  	_ = 	snop;
	(pc) =	sbr.ind lr, $3  }
0x3a: {  	_ = 	snop  }
0x3b: {  	_ = 	snop  }
0x3c: {  	p2 =	seq.s32 s10, $0x1;
	s10 =	sld [smem:$0x3FAF]  }
0x3d: {  	_ =	shalt  }
0x3e: {  	_ =	shalt  }
0x3f: {  	_ =	shalt  }
0x40: {  	_ =	shalt  }
0x41: {  	_ =	shalt  }
0x42: {  	_ =	shalt  }
0x43: {  	_ =	shalt  }
0x44: {  	_ =	shalt  }
0x45: {  	_ =	shalt  }
0x46: {  	_ =	shalt  }
0x47: {  	_ =	shalt  }
0x48: {  	_ =	shalt  }
0x49: {  	_ =	shalt  }
0x4a: {  	_ =	shalt  }
0x4b: {  	_ =	shalt  }
0x4c: {  	_ =	shalt  }
0x4d: {  	_ =	shalt  }
0x4e: {  	_ =	shalt  }
0x4f: {  	_ =	shalt  }
0x50: {  	_ =	shalt  }
0x51: {  	_ =	shalt  }
0x52: {  	_ =	shalt  }
0x53: {  	_ =	shalt  }
0x54: {  	_ =	shalt  }
0x55: {  	_ =	shalt  }
0x56: {  	_ =	shalt  }
0x57: {  	_ =	shalt  }
0x58: {  	_ =	shalt  }
0x59: {  	_ =	shalt  }
0x5a: {  	_ =	shalt  }
0x5b: {  	_ =	shalt  }
0x5c: {  	_ =	shalt  }
0x5d: {  	_ =	shalt  }
0x5e: {  	_ =	shalt  }
0x5f: {  	_ =	shalt  }
0x60: {  	_ =	shalt  }
0x61: {  	_ =	shalt  }
0x62: {  	_ =	shalt  }
0x63: {  	_ =	shalt  }
0x64: {  	_ =	shalt  }
0x65: {  	_ =	shalt  }
0x66: {  	_ =	shalt  }
0x67: {  	_ =	shalt  }
0x68: {  	_ =	shalt  }
0x69: {  	_ =	shalt  }
0x6a: {  	_ =	shalt  }
0x6b: {  	_ =	shalt  }
0x6c: {  	_ =	shalt  }
0x6d: {  	_ =	shalt  }
0x6e: {  	_ =	shalt  }
0x6f: {  	_ =	shalt  }
0x70: {  	_ =	shalt  }
0x71: {  	_ =	shalt  }
0x72: {  	_ =	shalt  }
0x73: {  	_ =	shalt  }
0x74: {  	_ =	shalt  }
0x75: {  	_ =	shalt  }
0x76: {  	_ =	shalt  }
0x77: {  	_ =	shalt  }
0x78: {  	_ =	shalt  }
0x79: {  	_ =	shalt  }
0x7a: {  	_ =	shalt  }
0x7b: {  	_ =	shalt  }
0x7c: {  	_ =	shalt  }
0x7d: {  	_ =	shalt  }
0x7e: {  	_ =	shalt  }
0x7f: {  	_ =	shalt  }
0x80: {  	_ =	shalt  }
0x81: {  	_ =	shalt  }
0x82: {  	_ =	shalt  }
0x83: {  	_ =	shalt  }
0x84: {  	_ =	shalt  }
0x85: {  	_ =	shalt  }
0x86: {  	_ =	shalt  }
0x87: {  	_ =	shalt  }
.Lfunc_end0:
.L_simem_size_0:
called_computation_lowered:
.L_overlay_start_0:
0x88: {  	s2 =	sld [smem:$0x3FD9]  }
0x89: {  	s3 =	sld [smem:$0x3FFE];
	_ =	sdelay $0x1  }
0x8a: {  	s1 =	srdreg.scid  }
0x8b: {  	s0 =	sand.u32 $0x1, s1  }
0x8c: {  	s17 =	sshll.u32 s0, $0xA;
	s2 =	sadd.s32 s3, s2  }
0x8d: {  	s2 =	sadd.s32 s2, s17  }
0x8e: {  	[smem:$0x3FBB] =	sst s2  }
0x8f: {  	_ = 	snop  }
0x90: {  	s2 =	sld [smem:$0x3FD0];
	(tm) =	ssettm $0x1  }
0x91: {  	s18 =	sld [smem:$0x3FFB];
	_ =	sdelay $0x3  }
0x92: {  	_ =	strace s18  }
0x93: {  	s3 =	sld [smem:$0x3FFC];
	_ =	sdelay $0x3  }
0x94: {  	_ =	strace s3  }
0x95: {  	s3 =	sld [smem:$0x3FFD];
	_ =	sdelay $0x3  }
0x96: {  	_ =	strace s3  }
0x97: {  	_ =	strace $0x8FFFFFFF  }
0x98: {  	s19 =	sld [smem:$0x3FDB];
	_ =	sdelay $0x1  }
0x99: {  	s4 =	simm.s32 $_scs_section_size  }
0x9a: {  	s5 =	simm.s32 $_size__tile_overlayer_lowered;
	s6 =	simm.s32 $_tile_overlayer_lowered  }
0x9b: {  	s22 =	simm.s32 $0x1BFF;
	s21 =	sshll.u32 s6, $0x1;
	s3 =	sadd.s32 s4, s19  }
0x9c: {  	s7 =	simm.s32 $0x0;
	s20 =	sshll.u32 s5, $0x1;
	s5 =	sadd.s32 s21, s3  }
0x9d: {  	[timem:s7], [sflag:s22] =	dma.local [hbm:s5], s20  }
0x9e: {  	_ =	swait.ge [sflag:s22], s20  }
0x9f: {  	s4 =	ssub.s32 $0x0, s20;
	[sflag:s22] =	ssyncset.done $0x0  }
0xa0: {  	[sflag:s22] =	ssyncadd.s32 s4;
	_ =	sdelay $0x1  }
0xa1: {  	s23 =	simm.s32 $0x1B8B  }
0xa2: {  	_ =	swait.ge [sflag:s23], $0x1  }
0xa3: {  	[sflag:s23] =	ssyncset.done $0x0  }
0xa4: {  	s25 =	simm.s32 $0x1B8E;
	s24 =	sld [smem:$0x3FFE];
	[sflag:s23] =	ssyncadd.s32 $0xFFFFFFFF  }
0xa5: {  	s26 =	simm.s32 $execute0_lowered;
	[smem:$0x3FD2] =	sst s25  }
0xa6: {  	s5 =	sshll.u32 s26, $0x1;
	_ =	strace $0x80000046;
	[dreg:$0x1] =	wrdreg $0xFFFFFFFF  }
0xa7: {  	s28 =	simm.s32 $_size_execute0_lowered;
	s3 =	sadd.s32 s3, s5;
	[dreg:$0x0] =	wrdreg $0x0  }
0xa8: {  	s5 =	sshll.u32 s28, $0x1;
	[dreg:$0x2] =	wrdreg s3  }
0xa9: {  	[dreg:$0x3] =	wrdreg s5  }
0xaa: {  	[dreg:$0x4] =	wrdreg $0xC0  }
0xab: {  	_ =	task [dreg:s7], $0x5FFFF  }
0xac: {  	[dreg:$0x1] =	wrdreg $0xFFFFFFFF  }
0xad: {  	[dreg:$0x0] =	wrdreg $0x60  }
0xae: {  	[dreg:$0x2] =	wrdreg s2  }
0xaf: {  	[dreg:$0x3] =	wrdreg s24  }
0xb0: {  	[dreg:$0x4] =	wrdreg $0x9  }
0xb1: {  	_ =	task.clear_ibuf [dreg:s7], $0x5FFFF;
	_ =	strace $0x90000046  }
0xb2: {  	s29 =	simm.s32 $0x9;
	_ =	strace $0x80000048  }
0xb3: {  	_ =	swait.ge [sflag:s29], $0x1  }
0xb4: {  	[sflag:s29] =	ssyncadd.s32 $0xFFFFFFFF  }
0xb5: {  	_ =	strace $0x90000048  }
0xb6: {  	_ =	sfence  }
0xb7: {  	s30 =	sld [smem:$0x0];
	_ =	sdelay $0x2  }
0xb8: {  	s31 =	sshll.u32 s1, $0xD;
	s1 =	sshrl.u32 s1, $0x2  }
0xb9: {  	s3 =	sand.u32 $0x4000, s31;
	s1 =	sadd.s32 s1, s30  }
0xba: {  	s0 =	sor.u32 s3, s0;
	s1 =	sshll.u32 s1, $0x11  }
0xbb: {  	s0 =	sor.u32 s1, s0  }
0xbc: {  	s0 =	sadd.s32 $0x8F2B, s0  }
0xbd: {  	[sflag:s0] =	ssyncadd.remote.s32 $0x1  }
0xbe: {  	_ =	sfence.sel $0xFFFF  }
0xbf: {  	[dreg:$0x0] =	wrdreg $0xFFFFFFFF;
	(pc) =	sbr.abs _section_cstart, $3  }
0xc0: {  	[dreg:$0x1] =	wrdreg $0xFFFFFFFF  }
0xc1: {  	_ =	task.clear_ibuf [dreg:s7], $0x2FFFF;
	_ =	strace $0x9FFFFFFF  }
0xc2: {  	(tm) =	ssettm $0x7FFFFFFF  }
0xc3: {  	_ =	shalt  }
tec
execute0_lowered:
.L_overlay_start_1:
0x0: {  	(tag) =	ssettag $0x1  }
0x1: {  	s6 =	rddreg [dreg:$0x0]  }
0x2: {  	s4 =	rddreg [dreg:$0x1]  }
0x3: {  	s0 =	rddreg [dreg:$0x2];
	s1 =	stileid.u32  }
0x4: {  	s2 =	simm.s32 $0x0;
	s3 =	srdreg.scid;
	s12 =	simm.s32 $0x2080  }
0x5: {  	s13 =	simm.s32 $0x2880;
	s14 =	simm.s32 $0x3080;
	s15 =	simm.s32 $0x3880  }
0x6: {  	s16 =	simm.s32 $0x4080;
	s17 =	simm.s32 $0x4880;
	s18 =	simm.s32 $0x5080  }
0x7: {  	s19 =	simm.s32 $0x5880;
	s20 =	simm.s32 $0x6080;
	s21 =	simm.s32 $0x6880  }
0x8: {  	s22 =	simm.s32 $0x7080;
	s23 =	simm.s32 $0x7880;
	s5 =	smul.u32 $0x50000, s1  }
0x9: {  	s24 =	simm.s32 $0x1;
	s7 =	sand.u32 $0x1, s3;
	s8 =	smul.u32 $0x2800, s1  }
0xa: {  	s25 =	simm.s32 $0x0;
	[smem:$0x7FF] =	sst s2;
	s10 =	smul.u32 $0x1400, s7  }
0xb: {  	s3 =	sadd.s32 $0x3200, s4;
	s9 =	ssub.s32 $0x2, s7;
	s7 =	smul.u32 $0x28000, s7  }
0xc: {  	_ =	strace $0x80000047;
	s11 =	sshrl.u32 s9, $0x1;
	s5 =	sadd.s32 s5, s4  }
0xd: {  	s30 =	ssub.s32 s9, s11;
	s8 =	sadd.s32 s10, s8;
	s5 =	sadd.s32 s7, s5  }
0xe: {  	v2 =	vlaneseq.u32;
	s7 =	simm.s32 $0x2;
	s9 =	simm.s32 $0x880;
	s10 =	simm.s32 $0x1080  }
0xf: {  	vm0 =	vmmov $0xffff;
	v1 =	vshrl.u32 v2, $0x3;
	s11 =	simm.s32 $0x1880;
	s4 =	smax.u32 s30, $0x1;
	s31 =	sshrl.u32 s8, $0x3  }
0x10: {  	v0 =	vand.u32 $0x7, v2;
	v2 =	vor.u32 $0x8, v2;
	v1 =	vmul.u32 $0x8, v1;
	s5 =	sadd.s32 $0xA3200, s5;
	s8 =	simm.s32 $0x80;
	s6 =	sadd.s32 s31, s6  }
.LBB2_1:
0x11: {  	s26 =	smov.u32 s5;
	s28 =	simm.s32 $0x0  }
.LBB2_2:
0x12: {  	s29 =	sadd.s32 s28, s6  }
0x13: {  	[tilespmem:s2], [sflag:$0x2] =	stream.linear.gather [hbm4b:s29+s2], $0x80, $0x38;
	[tilespmem:$0x8080] =	vst v63  }
0x14: {  	_ =	swait.ge [sflag:s7], $0x80  }
0x15: {  	[sflag:s7] =	ssyncset.done $0x0  }
0x16: {  	[sflag:s7] =	ssyncadd.s32 $0xFFFFFF80  }
0x17: {  	v3 =	vld [tilespmem:$0x0];
	_ =	sdelay $0x4  }
0x18: {  	v4 =	vshll.u32 v3, $0x1  }
0x19: {  	v3 =	vand.u32 $0x7, v3;
	v4 =	vand.u32 $0xFFFFFFF0, v4  }
0x1a: {  	v3 =	vor.u32 v3, v4  }
0x1b: {  	v4 =	vperm.xlane v3, v0;
	_ =	sdelay $0x1  }
0x1c: {  	v3 =	vperm.xlane v3, v2;
	v4 =	vadd.s32 v1, v4;
	_ =	sdelay $0x1  }
0x1d: {  	v3 =	vadd.s32 v1, v3;
	_ =	sdelay $0x2  }
0x1e: {  	[tilespmem:s8], [sflag:$0x1] =	stream.indirect_vreg.gather [hbm4b:s3+s2], $0x80, v4, vm0, $0xb8;
	[tilespmem:$0x8080] =	vst v63  }
0x1f: {  	_ = 	snop  }
0x20: {  	[tilespmem:s9], [sflag:$0x1] =	stream.indirect_vreg.gather [hbm4b:s3+s2], $0x80, v3, vm0, $0xb8;
	[tilespmem:$0x8080] =	vst v63  }
0x21: {  	v3 =	vld [tilespmem:$0x10];
	_ =	sdelay $0x4  }
0x22: {  	v57 =	vshll.u32 v3, $0x1  }
0x23: {  	v3 =	vand.u32 $0x7, v3;
	v4 =	vand.u32 $0xFFFFFFF0, v57  }
0x24: {  	v3 =	vor.u32 v3, v4  }
0x25: {  	v4 =	vperm.xlane v3, v0;
	_ =	sdelay $0x1  }
0x26: {  	v3 =	vperm.xlane v3, v2;
	v4 =	vadd.s32 v1, v4;
	_ =	sdelay $0x1  }
0x27: {  	v3 =	vadd.s32 v1, v3;
	_ =	sdelay $0x2  }
0x28: {  	[tilespmem:s10], [sflag:$0x1] =	stream.indirect_vreg.gather [hbm4b:s3+s2], $0x80, v4, vm0, $0xb8;
	[tilespmem:$0x8080] =	vst v63  }
0x29: {  	_ = 	snop  }
0x2a: {  	[tilespmem:s11], [sflag:$0x1] =	stream.indirect_vreg.gather [hbm4b:s3+s2], $0x80, v3, vm0, $0xb8;
	[tilespmem:$0x8080] =	vst v63  }
0x2b: {  	v3 =	vld [tilespmem:$0x20];
	_ =	sdelay $0x4  }
0x2c: {  	v58 =	vshll.u32 v3, $0x1  }
0x2d: {  	v3 =	vand.u32 $0x7, v3;
	v4 =	vand.u32 $0xFFFFFFF0, v58  }
0x2e: {  	v3 =	vor.u32 v3, v4  }
0x2f: {  	v4 =	vperm.xlane v3, v0;
	_ =	sdelay $0x1  }
0x30: {  	v3 =	vperm.xlane v3, v2;
	v4 =	vadd.s32 v1, v4;
	_ =	sdelay $0x1  }
0x31: {  	v3 =	vadd.s32 v1, v3;
	_ =	sdelay $0x2  }
0x32: {  	[tilespmem:s12], [sflag:$0x1] =	stream.indirect_vreg.gather [hbm4b:s3+s2], $0x80, v4, vm0, $0xb8;
	[tilespmem:$0x8080] =	vst v63  }
0x33: {  	_ = 	snop  }
0x34: {  	[tilespmem:s13], [sflag:$0x1] =	stream.indirect_vreg.gather [hbm4b:s3+s2], $0x80, v3, vm0, $0xb8;
	[tilespmem:$0x8080] =	vst v63  }
0x35: {  	v3 =	vld [tilespmem:$0x30];
	_ =	sdelay $0x4  }
0x36: {  	v59 =	vshll.u32 v3, $0x1  }
0x37: {  	v3 =	vand.u32 $0x7, v3;
	v4 =	vand.u32 $0xFFFFFFF0, v59  }
0x38: {  	v3 =	vor.u32 v3, v4  }
0x39: {  	v4 =	vperm.xlane v3, v0;
	_ =	sdelay $0x1  }
0x3a: {  	v3 =	vperm.xlane v3, v2;
	v4 =	vadd.s32 v1, v4;
	_ =	sdelay $0x1  }
0x3b: {  	v3 =	vadd.s32 v1, v3;
	_ =	sdelay $0x2  }
0x3c: {  	[tilespmem:s14], [sflag:$0x1] =	stream.indirect_vreg.gather [hbm4b:s3+s2], $0x80, v4, vm0, $0xb8;
	[tilespmem:$0x8080] =	vst v63  }
0x3d: {  	_ = 	snop  }
0x3e: {  	[tilespmem:s15], [sflag:$0x1] =	stream.indirect_vreg.gather [hbm4b:s3+s2], $0x80, v3, vm0, $0xb8;
	[tilespmem:$0x8080] =	vst v63  }
0x3f: {  	v3 =	vld [tilespmem:$0x40];
	_ =	sdelay $0x4  }
0x40: {  	v60 =	vshll.u32 v3, $0x1  }
0x41: {  	v3 =	vand.u32 $0x7, v3;
	v4 =	vand.u32 $0xFFFFFFF0, v60  }
0x42: {  	v3 =	vor.u32 v3, v4  }
0x43: {  	v4 =	vperm.xlane v3, v0;
	_ =	sdelay $0x1  }
0x44: {  	v3 =	vperm.xlane v3, v2;
	v4 =	vadd.s32 v1, v4;
	_ =	sdelay $0x1  }
0x45: {  	v3 =	vadd.s32 v1, v3;
	_ =	sdelay $0x2  }
0x46: {  	[tilespmem:s16], [sflag:$0x1] =	stream.indirect_vreg.gather [hbm4b:s3+s2], $0x80, v4, vm0, $0xb8;
	[tilespmem:$0x8080] =	vst v63  }
0x47: {  	_ = 	snop  }
0x48: {  	[tilespmem:s17], [sflag:$0x1] =	stream.indirect_vreg.gather [hbm4b:s3+s2], $0x80, v3, vm0, $0xb8;
	[tilespmem:$0x8080] =	vst v63  }
0x49: {  	v3 =	vld [tilespmem:$0x50];
	_ =	sdelay $0x4  }
0x4a: {  	v61 =	vshll.u32 v3, $0x1  }
0x4b: {  	v3 =	vand.u32 $0x7, v3;
	v4 =	vand.u32 $0xFFFFFFF0, v61  }
0x4c: {  	v3 =	vor.u32 v3, v4  }
0x4d: {  	v4 =	vperm.xlane v3, v0;
	_ =	sdelay $0x1  }
0x4e: {  	v3 =	vperm.xlane v3, v2;
	v4 =	vadd.s32 v1, v4;
	_ =	sdelay $0x1  }
0x4f: {  	v3 =	vadd.s32 v1, v3;
	_ =	sdelay $0x2  }
0x50: {  	[tilespmem:s18], [sflag:$0x1] =	stream.indirect_vreg.gather [hbm4b:s3+s2], $0x80, v4, vm0, $0xb8;
	[tilespmem:$0x8080] =	vst v63  }
0x51: {  	_ = 	snop  }
0x52: {  	[tilespmem:s19], [sflag:$0x1] =	stream.indirect_vreg.gather [hbm4b:s3+s2], $0x80, v3, vm0, $0xb8;
	[tilespmem:$0x8080] =	vst v63  }
0x53: {  	v3 =	vld [tilespmem:$0x60];
	_ =	sdelay $0x4  }
0x54: {  	v62 =	vshll.u32 v3, $0x1  }
0x55: {  	v3 =	vand.u32 $0x7, v3;
	v4 =	vand.u32 $0xFFFFFFF0, v62  }
0x56: {  	v3 =	vor.u32 v3, v4  }
0x57: {  	v4 =	vperm.xlane v3, v0;
	_ =	sdelay $0x1  }
0x58: {  	v3 =	vperm.xlane v3, v2;
	v4 =	vadd.s32 v1, v4;
	_ =	sdelay $0x1  }
0x59: {  	v3 =	vadd.s32 v1, v3;
	_ =	sdelay $0x2  }
0x5a: {  	[tilespmem:s20], [sflag:$0x1] =	stream.indirect_vreg.gather [hbm4b:s3+s2], $0x80, v4, vm0, $0xb8;
	[tilespmem:$0x8080] =	vst v63  }
0x5b: {  	_ = 	snop  }
0x5c: {  	[tilespmem:s21], [sflag:$0x1] =	stream.indirect_vreg.gather [hbm4b:s3+s2], $0x80, v3, vm0, $0xb8;
	[tilespmem:$0x8080] =	vst v63  }
0x5d: {  	v3 =	vld [tilespmem:$0x70];
	_ =	sdelay $0x4  }
0x5e: {  	v63 =	vshll.u32 v3, $0x1  }
0x5f: {  	v3 =	vand.u32 $0x7, v3;
	v4 =	vand.u32 $0xFFFFFFF0, v63  }
0x60: {  	v3 =	vor.u32 v3, v4  }
0x61: {  	v4 =	vperm.xlane v3, v0;
	_ =	sdelay $0x1  }
0x62: {  	v3 =	vperm.xlane v3, v2;
	v4 =	vadd.s32 v1, v4;
	_ =	sdelay $0x1  }
0x63: {  	v3 =	vadd.s32 v1, v3;
	_ =	sdelay $0x2  }
0x64: {  	[tilespmem:s22], [sflag:$0x1] =	stream.indirect_vreg.gather [hbm4b:s3+s2], $0x80, v4, vm0, $0xb8;
	[tilespmem:$0x8080] =	vst v63  }
0x65: {  	_ = 	snop  }
0x66: {  	[tilespmem:s23], [sflag:$0x1] =	stream.indirect_vreg.gather [hbm4b:s3+s2], $0x80, v3, vm0, $0xb8;
	[tilespmem:$0x8080] =	vst v63  }
0x67: {  	_ =	swait.ge [sflag:s24], $0x8000  }
0x68: {  	p0 =	sne.s32 s28, $0x270;
	[sflag:s24] =	ssyncset.done $0x0  }
.Ltmp0:
0x69: {  	[sflag:s24] =	ssyncadd.s32 $0xFFFF8000;
	(pc) =	sbr.rel @p0 .LBB2_2-.Ltmp0, $4  }
0x6a: {  	[hbm4b:s26+s2] =	stream.linear.scatter [tilespmem:s8], [sflag:$0x2], $0x8000, $0x38;
	[tilespmem:$0x8080] =	vst v63  }
0x6b: {  	_ =	swait.ge [sflag:s7], $0x8000  }
0x6c: {  	[sflag:s7] =	ssyncset.done $0x0  }
0x6d: {  	s28 =	sadd.s32 $0x10, s28;
	s26 =	sadd.s32 $0x1000, s26;
	[sflag:s7] =	ssyncadd.s32 $0xFFFF8000  }
0x6e: {  	s25 =	sadd.s32 $0x1, s25  }
0x6f: {  	p0 =	sne.s32 s25, s4  }
.Ltmp1:
0x70: {  	_ = 	snop;
	(pc) =	sbr.rel @p0 .LBB2_1-.Ltmp1, $1  }
0x71: {  	_ =	sdelay $0x3  }
0x72: {  	_ =	sfence.sel $0x180000  }
0x73: {  	[bflag:$0x0] =	sbarrier.arrive $0xFFFF  }
0x74: {  	p0 =	sne.s32 s1, $0x0;
	_ =	strace $0x90000047  }
0x75: {  	s0 =	sadd.s32 @!p0 $0x100000, s0;
	[bflag:$0x2] =	sbarrier.arrive $0xFFFF  }
0x76: {  	[sflag:s0] =	ssyncadd.tile.s32 @!p0 $0x1;
	_ =	shalt  }
.Lfunc_end2:
_tile_overlayer_lowered:
.L_overlay_start_2:
0x77: {  	(tag) =	ssettag $0x2  }
0x78: {  	s0 =	rddreg [dreg:$0x0];
	s2 =	stileid.u32  }
0x79: {  	s1 =	rddreg [dreg:$0x1];
	p0 =	sne.s32 s2, $0x0  }
0x7a: {  	s3 =	rddreg [dreg:$0x2];
	[bflag:$0x3] =	sbarrier.arrive $0xFFFF;
	s2 =	simm.s32 @!p0 $0x1C02  }
0x7b: {  	[timem:s3], [sflag:s2] =	dma.local @!p0 [hbm:s0], s1  }
0x7c: {  	s0 =	simm.s32 @!p0 $0x2  }
0x7d: {  	_ =	swait.ge @!p0 [sflag:s0], s1  }
0x7e: {  	s1 =	ssub.s32 @!p0 $0x0, s1;
	[sflag:s0] =	ssyncset.done @!p0 $0x0  }
0x7f: {  	[sflag:s0] =	ssyncadd.s32 @!p0 s1  }
0x80: {  	[bflag:$0x3] =	sbarrier.arrive $0xFFFF  }
0x81: {  	_ =	shalt  }

</sc_bundles>
